<compile_context>
chip_gen: v7x
topology: tpu7x:2x2x1
jax: 0.10.2.dev20260603
libtpu: 0.0.44.dev20260713+nightly
codegen_flags: <defaults>
</compile_context>

<pallas_src>
import dataclasses
import functools

import jax
import jax.numpy as jnp
from jax import lax
from jax.experimental import pallas as pl
from jax.experimental.pallas import tpu as pltpu
from jax.experimental.pallas import tpu_sc as plsc

N_NODES = 100000
N_EDGES = 6400000
PEN = 0.01

NC, NS, L = 2, 16, 16
NW = NC * NS
NPAD = 100352
SLICE = NPAD // NS
EDGES_PER_TILE = N_EDGES // NW
CH = 1600
NCHUNKS = EDGES_PER_TILE // CH
NTRIPLES = (NCHUNKS - 2) // 3


def _sc_edge_kernel(ei_hbm, w_hbm, traffic_hbm, out_hbm,
                    table,
                    idx0, w0, val0,
                    idx1, w1_, val1,
                    idx2, w2_, val2,
                    acc,
                    isem0, isem1, isem2, ssem0, ssem1, ssem2):
    c = lax.axis_index("c")
    s = lax.axis_index("s")
    wid = c * NS + s
    base = wid * EDGES_PER_TILE

    sets = ((idx0, w0, val0, isem0, ssem0),
            (idx1, w1_, val1, isem1, ssem1),
            (idx2, w2_, val2, isem2, ssem2))

    def fire_in(n, st):
        idx, wb, _, isem, _ = st
        e0 = base + n * CH
        pltpu.async_copy(ei_hbm.at[pl.ds(e0, CH)], idx.at[pl.ds(0, CH)], isem)
        pltpu.async_copy(ei_hbm.at[pl.ds(N_EDGES + e0, CH)],
                         idx.at[pl.ds(CH, CH)], isem)
        pltpu.async_copy(w_hbm.at[pl.ds(e0, CH)], wb, isem)

    def wait_in(st):
        idx, wb, _, isem, _ = st
        pltpu.make_async_copy(ei_hbm.at[pl.ds(0, CH)],
                              idx.at[pl.ds(0, CH)], isem).wait()
        pltpu.make_async_copy(ei_hbm.at[pl.ds(0, CH)],
                              idx.at[pl.ds(CH, CH)], isem).wait()
        pltpu.make_async_copy(w_hbm.at[pl.ds(0, CH)], wb, isem).wait()

    def compute(st):
        idx, wb, val, _, _ = st

        @pl.loop(0, CH, step=L)
        def _(i):
            si = idx[pl.ds(i, L)]
            di = idx[pl.ds(CH + i, L)]
            wv = wb[pl.ds(i, L)]
            sv = plsc.load_gather(table, [si])
            dv = plsc.load_gather(table, [di])
            t = jnp.abs(sv - dv) * (wv * PEN)
            val[pl.ds(CH + i, L)] = t
            val[pl.ds(i, L)] = -t

    def fire_scatter(st):
        idx, _, val, _, ssem = st
        pltpu.async_copy(val, acc.at[idx], ssem, add=True)

    def wait_scatter(st):
        idx, _, val, _, ssem = st
        pltpu.make_async_copy(val, acc.at[idx], ssem).wait()

    pltpu.sync_copy(traffic_hbm, table)

    @pl.loop(0, 2 * CH, step=L)
    def _(i):
        val0[pl.ds(i, L)] = jnp.zeros((L,), jnp.float32)

    pltpu.sync_copy(val0, acc.at[pl.ds(s * SLICE, 2 * CH)])
    rem = SLICE - 2 * CH
    pltpu.sync_copy(val0.at[pl.ds(0, rem)],
                    acc.at[pl.ds(s * SLICE + 2 * CH, rem)])
    plsc.subcore_barrier()

    fire_in(0, sets[0])

    def phase(n, j, k, guarded):
        p = j % 3
        pn = (j + 1) % 3
        if guarded:
            @pl.when(k > 0)
            def _():
                wait_scatter(sets[pn])
        else:
            wait_scatter(sets[pn])

        fire_in(n + 1, sets[pn])
        wait_in(sets[p])
        compute(sets[p])
        fire_scatter(sets[p])

    @pl.loop(0, NTRIPLES)
    def _(k):
        phase(3 * k, 0, k, True)
        phase(3 * k + 1, 1, k, True)
        phase(3 * k + 2, 2, k, False)

    n0 = 3 * NTRIPLES

    def phase_static(n):
        p = n % 3
        pn = (n + 1) % 3
        wait_scatter(sets[pn])
        if n + 1 <= NCHUNKS - 1:
            fire_in(n + 1, sets[pn])
        wait_in(sets[p])
        compute(sets[p])
        fire_scatter(sets[p])

    phase_static(n0)
    phase_static(n0 + 1)
    wait_scatter(sets[n0 % 3])
    wait_scatter(sets[(n0 + 1) % 3])

    plsc.subcore_barrier()
    pltpu.sync_copy(acc.at[pl.ds(s * SLICE, 2 * CH)], val0)
    pltpu.sync_copy(val0, out_hbm.at[pl.ds(c * NPAD + s * SLICE, 2 * CH)])
    pltpu.sync_copy(acc.at[pl.ds(s * SLICE + 2 * CH, rem)],
                    val0.at[pl.ds(0, rem)])
    pltpu.sync_copy(val0.at[pl.ds(0, rem)],
                    out_hbm.at[pl.ds(c * NPAD + s * SLICE + 2 * CH, rem)])


def _tc_combine_kernel(acc_ref, t_ref, y_ref, c_ref, new_ref, eff_ref):
    new = t_ref[...] + acc_ref[0] + acc_ref[1]
    new_ref[...] = new
    eff = jnp.sum(y_ref[...] * new) - jnp.sum(c_ref[...])
    eff_ref[...] = eff.reshape(1, 1)


def kernel(edge_index, edge_weight, nodes_yield_rate, nodes_traffic, nodes_cost):
    ei_flat = edge_index.astype(jnp.int32).reshape(2 * N_EDGES)
    w1 = edge_weight.astype(jnp.float32)

    mesh = plsc.VectorSubcoreMesh(core_axis_name="c", subcore_axis_name="s")
    cp = pltpu.CompilerParams()
    if "needs_layout_passes" in pltpu.CompilerParams.__dataclass_fields__:
        cp = dataclasses.replace(cp, needs_layout_passes=False)
    sc_call = functools.partial(
        pl.kernel,
        compiler_params=cp,
        out_type=jax.ShapeDtypeStruct((NC * NPAD,), jnp.float32),
        mesh=mesh,
        scratch_types=[
            pltpu.VMEM((N_NODES,), jnp.float32),
            pltpu.VMEM((2 * CH,), jnp.int32),
            pltpu.VMEM((CH,), jnp.float32),
            pltpu.VMEM((2 * CH,), jnp.float32),
            pltpu.VMEM((2 * CH,), jnp.int32),
            pltpu.VMEM((CH,), jnp.float32),
            pltpu.VMEM((2 * CH,), jnp.float32),
            pltpu.VMEM((2 * CH,), jnp.int32),
            pltpu.VMEM((CH,), jnp.float32),
            pltpu.VMEM((2 * CH,), jnp.float32),
            pltpu.VMEM_SHARED((NPAD,), jnp.float32),
            pltpu.SemaphoreType.DMA,
            pltpu.SemaphoreType.DMA,
            pltpu.SemaphoreType.DMA,
            pltpu.SemaphoreType.DMA,
            pltpu.SemaphoreType.DMA,
            pltpu.SemaphoreType.DMA,
        ],
    )(_sc_edge_kernel)
    accs = sc_call(ei_flat, w1, nodes_traffic)

    npad = NPAD - N_NODES
    t2 = jnp.pad(nodes_traffic, (0, npad)).reshape(NPAD // 128, 128)
    y2 = jnp.pad(nodes_yield_rate, (0, npad)).reshape(NPAD // 128, 128)
    c2 = jnp.pad(nodes_cost, (0, npad)).reshape(NPAD // 128, 128)
    acc3 = accs.reshape(NC, NPAD // 128, 128)

    new2, eff = pl.pallas_call(
        _tc_combine_kernel,
        out_shape=[
            jax.ShapeDtypeStruct((NPAD // 128, 128), jnp.float32),
            jax.ShapeDtypeStruct((1, 1), jnp.float32),
        ],
    )(acc3, t2, y2, c2)

    new_traffic = new2.reshape(NPAD)[:N_NODES]
    return (new_traffic, eff[0, 0])

# --- scband reference (transcript-rebuilt; emitter-appended) ---
"""Pipeline reference for scband-message-passing-net-85117661872492 (READ-ONLY COPY).

The authoritative reference and input builder live on the scoring server;
editing this copy changes nothing except your own understanding.
"""

import jax, jax.numpy as jnp
import numpy as np

N_NODES = 100000
N_EDGES = 6400000
PENALTY_N = 0.01


def setup_inputs(seed: int = 0) -> dict:
    key = jax.random.key(seed)
    k1, k2, k3, k4, k5 = jax.random.split(key, 5)
    edge_index = jax.random.randint(k1, (2, N_EDGES), 0, N_NODES, dtype=jnp.int64) if jax.config.jax_enable_x64 else jax.random.randint(k1, (2, N_EDGES), 0, N_NODES, dtype=jnp.int32)
    edge_weight = jax.random.uniform(k2, (N_EDGES,), dtype=jnp.float32)
    nodes_yield_rate = jax.random.uniform(k3, (N_NODES,), dtype=jnp.float32)
    nodes_traffic = jax.random.uniform(k4, (N_NODES,), dtype=jnp.float32)
    nodes_cost = jax.random.uniform(k5, (N_NODES,), dtype=jnp.float32)
    return {
        "edge_index": edge_index,
        "edge_weight": edge_weight,
        "nodes_yield_rate": nodes_yield_rate,
        "nodes_traffic": nodes_traffic,
        "nodes_cost": nodes_cost,
    }


def reference(edge_index, edge_weight, nodes_yield_rate, nodes_traffic, nodes_cost):
    # Faithful vectorization of the per-edge loop in MessagePassingNet.
    # In the original loop, for each edge (reads always from the ORIGINAL traffic
    # tensor): if diff > 0: src -= diff*n*w, dst += diff*n*w; if diff < 0:
    # src += diff*n*w (diff negative => decrease), dst -= diff*n*w (increase).
    # Both branches are equivalent to: src -= |diff|*n*w, dst += |diff|*n*w,
    # and diff == 0 is a no-op (transfer == 0). Hence a single scatter-add.
    src = edge_index[0]
    dst = edge_index[1]
    src_traffic = jnp.take(nodes_traffic, src, axis=0)
    dst_traffic = jnp.take(nodes_traffic, dst, axis=0)
    traffic_diff = src_traffic - dst_traffic
    transfer = jnp.abs(traffic_diff) * PENALTY_N * edge_weight
    new_traffic = nodes_traffic
    new_traffic = new_traffic.at[src].add(-transfer)
    new_traffic = new_traffic.at[dst].add(transfer)
    total_service_efficiency = jnp.sum(nodes_yield_rate * new_traffic - nodes_cost)
    return (new_traffic, total_service_efficiency)

if __name__ == "__main__":
    import jax
    _d = setup_inputs()
    print(jax.jit(kernel)(*tuple(_d.values())))

</pallas_src>

<mosaic_0001>
#map = affine_map<(d0, d1) -> (0)>
module attributes {stable_mosaic.version = 14 : i64} {
  func.func @_sc_edge_kernel(%arg0: i32, %arg1: i32, %arg2: memref<12800000xi32, #tpu.memory_space<hbm>>, %arg3: memref<6400000xf32, #tpu.memory_space<hbm>>, %arg4: memref<100000xf32, #tpu.memory_space<hbm>>, %arg5: memref<200704xf32, #tpu.memory_space<hbm>>, %arg6: memref<100000xf32, #tpu.memory_space<vmem>>, %arg7: memref<3200xi32, #tpu.memory_space<vmem>>, %arg8: memref<1600xf32, #tpu.memory_space<vmem>>, %arg9: memref<3200xf32, #tpu.memory_space<vmem>>, %arg10: memref<3200xi32, #tpu.memory_space<vmem>>, %arg11: memref<1600xf32, #tpu.memory_space<vmem>>, %arg12: memref<3200xf32, #tpu.memory_space<vmem>>, %arg13: memref<3200xi32, #tpu.memory_space<vmem>>, %arg14: memref<1600xf32, #tpu.memory_space<vmem>>, %arg15: memref<3200xf32, #tpu.memory_space<vmem>>, %arg16: memref<100352xf32, #tpu.memory_space<vmem_shared>>, %arg17: memref<!tpu.dma_semaphore, #tpu.memory_space<semaphore_mem>>, %arg18: memref<!tpu.dma_semaphore, #tpu.memory_space<semaphore_mem>>, %arg19: memref<!tpu.dma_semaphore, #tpu.memory_space<semaphore_mem>>, %arg20: memref<!tpu.dma_semaphore, #tpu.memory_space<semaphore_mem>>, %arg21: memref<!tpu.dma_semaphore, #tpu.memory_space<semaphore_mem>>, %arg22: memref<!tpu.dma_semaphore, #tpu.memory_space<semaphore_mem>>) attributes {dimension_semantics = [#tpu.dimension_semantics<core_parallel>, #tpu.dimension_semantics<subcore_parallel>], iteration_bounds = array<i64: 2, 16>, scalar_prefetch = 0 : i64, scratch_operands = 17 : i64, tpu.core_type = #tpu.core_type<sc_vector_subcore>, window_params = [{transform_indices = #map}, {transform_indices = #map}, {transform_indices = #map}, {transform_indices = #map}]} {
    %mul3A = arith.constant 16 : i32
    %mul3A_0 = arith.muli %arg0, %mul3A : i32
    %add3A = arith.addi %mul3A_0, %arg1 : i32
    %mul3A_1 = arith.constant 200000 : i32
    %mul3A_2 = arith.muli %add3A, %mul3A_1 : i32
    "tpu.region"() ({
      %run_scoped3A = tpu.sem_alloc : memref<!tpu.dma_semaphore, #tpu.memory_space<semaphore_mem>>
      tpu.enqueue_dma source(%arg4 : memref<100000xf32, #tpu.memory_space<hbm>>) target(%arg6 : memref<100000xf32, #tpu.memory_space<vmem>>) target_semaphore(%run_scoped3A : memref<!tpu.dma_semaphore, #tpu.memory_space<semaphore_mem>>)
      tpu.wait_dma2 semaphore(%run_scoped3A : memref<!tpu.dma_semaphore, #tpu.memory_space<semaphore_mem>>) src(%arg4 : memref<100000xf32, #tpu.memory_space<hbm>>) dst(%arg6 : memref<100000xf32, #tpu.memory_space<vmem>>)
      tpu.yield
    }) : () -> ()
    %scan3A = arith.constant 0 : i32
    %scan3A_3 = arith.constant 200 : i32
    %scan3A_4 = arith.addi %scan3A, %scan3A_3 : i32
    %scan3A_5 = arith.constant 1 : i32
    scf.for %scan3A_133 = %scan3A to %scan3A_4 step %scan3A_5  : i32 {
      %mul3A_134 = arith.constant 16 : i32
      %mul3A_135 = arith.muli %scan3A_133, %mul3A_134 : i32
      %add3A_136 = arith.constant 0 : i32
      %add3A_137 = arith.addi %add3A_136, %mul3A_135 : i32
      %broadcast_in_dim3A = arith.constant 0.000000e+00 : f32
      %broadcast_in_dim3A_138 = vector.broadcast %broadcast_in_dim3A : f32 to vector<16xf32>
      %swap3A = arith.index_cast %add3A_137 : i32 to index
      %swap3A_139 = tpu.vector_load %arg9[%swap3A] {strides = array<i32>} : memref<3200xf32, #tpu.memory_space<vmem>>, vector<16xf32>,
      tpu.vector_store %arg9[%swap3A], %broadcast_in_dim3A_138 {strides = array<i32>} : memref<3200xf32, #tpu.memory_space<vmem>>, vector<16xf32>,
    }
    %scan3A_6 = arith.constant 200 : i32
    %mul3A_7 = arith.constant 6272 : i32
    %mul3A_8 = arith.muli %arg1, %mul3A_7 : i32
    "tpu.region"() ({
      %run_scoped3A = tpu.sem_alloc : memref<!tpu.dma_semaphore, #tpu.memory_space<semaphore_mem>>
      %dma_start3A_133 = tpu.memref_slice %arg16[%mul3A_8] : memref<100352xf32, #tpu.memory_space<vmem_shared>> -> memref<3200xf32, #tpu.memory_space<vmem_shared>>
      %dma_start3A_134 = tpu.memref_slice %arg16[%mul3A_8] : memref<100352xf32, #tpu.memory_space<vmem_shared>> -> memref<3200xf32, #tpu.memory_space<vmem_shared>>
      tpu.enqueue_dma source(%arg9 : memref<3200xf32, #tpu.memory_space<vmem>>) target(%dma_start3A_134 : memref<3200xf32, #tpu.memory_space<vmem_shared>>) target_semaphore(%run_scoped3A : memref<!tpu.dma_semaphore, #tpu.memory_space<semaphore_mem>>)
      %dma_wait3A_135 = tpu.memref_slice %arg16[%mul3A_8] : memref<100352xf32, #tpu.memory_space<vmem_shared>> -> memref<3200xf32, #tpu.memory_space<vmem_shared>>
      %dma_wait3A_136 = tpu.memref_slice %arg16[%mul3A_8] : memref<100352xf32, #tpu.memory_space<vmem_shared>> -> memref<3200xf32, #tpu.memory_space<vmem_shared>>
      tpu.wait_dma2 semaphore(%run_scoped3A : memref<!tpu.dma_semaphore, #tpu.memory_space<semaphore_mem>>) src(%arg9 : memref<3200xf32, #tpu.memory_space<vmem>>) dst(%dma_wait3A_136 : memref<3200xf32, #tpu.memory_space<vmem_shared>>)
      tpu.yield
    }) : () -> ()
    %mul3A_9 = arith.constant 6272 : i32
    %mul3A_10 = arith.muli %arg1, %mul3A_9 : i32
    %add3A_11 = arith.constant 3200 : i32
    %add3A_12 = arith.addi %mul3A_10, %add3A_11 : i32
    "tpu.region"() ({
      %run_scoped3A = tpu.sem_alloc : memref<!tpu.dma_semaphore, #tpu.memory_space<semaphore_mem>>
      %dma_start3A_133 = arith.constant 0 : i32
      %dma_start3A_134 = tpu.memref_slice %arg9[%dma_start3A_133] : memref<3200xf32, #tpu.memory_space<vmem>> -> memref<3072xf32, #tpu.memory_space<vmem>>
      %dma_start3A_135 = tpu.memref_slice %arg16[%add3A_12] : memref<100352xf32, #tpu.memory_space<vmem_shared>> -> memref<3072xf32, #tpu.memory_space<vmem_shared>>
      %dma_start3A_136 = tpu.memref_slice %arg16[%add3A_12] : memref<100352xf32, #tpu.memory_space<vmem_shared>> -> memref<3072xf32, #tpu.memory_space<vmem_shared>>
      %dma_start3A_137 = arith.constant 0 : i32
      %dma_start3A_138 = tpu.memref_slice %arg9[%dma_start3A_137] : memref<3200xf32, #tpu.memory_space<vmem>> -> memref<3072xf32, #tpu.memory_space<vmem>>
      tpu.enqueue_dma source(%dma_start3A_138 : memref<3072xf32, #tpu.memory_space<vmem>>) target(%dma_start3A_136 : memref<3072xf32, #tpu.memory_space<vmem_shared>>) target_semaphore(%run_scoped3A : memref<!tpu.dma_semaphore, #tpu.memory_space<semaphore_mem>>)
      %dma_wait3A_139 = arith.constant 0 : i32
      %dma_wait3A_140 = tpu.memref_slice %arg9[%dma_wait3A_139] : memref<3200xf32, #tpu.memory_space<vmem>> -> memref<3072xf32, #tpu.memory_space<vmem>>
      %dma_wait3A_141 = tpu.memref_slice %arg16[%add3A_12] : memref<100352xf32, #tpu.memory_space<vmem_shared>> -> memref<3072xf32, #tpu.memory_space<vmem_shared>>
      %dma_wait3A_142 = tpu.memref_slice %arg16[%add3A_12] : memref<100352xf32, #tpu.memory_space<vmem_shared>> -> memref<3072xf32, #tpu.memory_space<vmem_shared>>
      %dma_wait3A_143 = arith.constant 0 : i32
      %dma_wait3A_144 = tpu.memref_slice %arg9[%dma_wait3A_143] : memref<3200xf32, #tpu.memory_space<vmem>> -> memref<3072xf32, #tpu.memory_space<vmem>>
      tpu.wait_dma2 semaphore(%run_scoped3A : memref<!tpu.dma_semaphore, #tpu.memory_space<semaphore_mem>>) src(%dma_wait3A_144 : memref<3072xf32, #tpu.memory_space<vmem>>) dst(%dma_wait3A_142 : memref<3072xf32, #tpu.memory_space<vmem_shared>>)
      tpu.yield
    }) : () -> ()
    %barrier3A = arith.constant 0 : index
    tpu.barrier barrier_id(%barrier3A)
    %add3A_13 = arith.constant 0 : i32
    %add3A_14 = arith.addi %mul3A_2, %add3A_13 : i32
    %dma_start3A = arith.constant 0 : i32
    %dma_start3A_15 = tpu.memref_slice %arg7[%dma_start3A] : memref<3200xi32, #tpu.memory_space<vmem>> -> memref<1600xi32, #tpu.memory_space<vmem>>
    %dma_start3A_16 = tpu.memref_slice %arg2[%add3A_14] : memref<12800000xi32, #tpu.memory_space<hbm>> -> memref<1600xi32, #tpu.memory_space<hbm>>
    %dma_start3A_17 = arith.constant 0 : i32
    %dma_start3A_18 = tpu.memref_slice %arg7[%dma_start3A_17] : memref<3200xi32, #tpu.memory_space<vmem>> -> memref<1600xi32, #tpu.memory_space<vmem>>
    %dma_start3A_19 = tpu.memref_slice %arg2[%add3A_14] : memref<12800000xi32, #tpu.memory_space<hbm>> -> memref<1600xi32, #tpu.memory_space<hbm>>
    tpu.enqueue_dma source(%dma_start3A_19 : memref<1600xi32, #tpu.memory_space<hbm>>) target(%dma_start3A_18 : memref<1600xi32, #tpu.memory_space<vmem>>) target_semaphore(%arg17 : memref<!tpu.dma_semaphore, #tpu.memory_space<semaphore_mem>>)
    %add3A_20 = arith.constant 6400000 : i32
    %add3A_21 = arith.addi %add3A_20, %add3A_14 : i32
    %dma_start3A_22 = arith.constant 1600 : i32
    %dma_start3A_23 = tpu.memref_slice %arg7[%dma_start3A_22] : memref<3200xi32, #tpu.memory_space<vmem>> -> memref<1600xi32, #tpu.memory_space<vmem>>
    %dma_start3A_24 = tpu.memref_slice %arg2[%add3A_21] : memref<12800000xi32, #tpu.memory_space<hbm>> -> memref<1600xi32, #tpu.memory_space<hbm>>
    %dma_start3A_25 = arith.constant 1600 : i32
    %dma_start3A_26 = tpu.memref_slice %arg7[%dma_start3A_25] : memref<3200xi32, #tpu.memory_space<vmem>> -> memref<1600xi32, #tpu.memory_space<vmem>>
    %dma_start3A_27 = tpu.memref_slice %arg2[%add3A_21] : memref<12800000xi32, #tpu.memory_space<hbm>> -> memref<1600xi32, #tpu.memory_space<hbm>>
    tpu.enqueue_dma source(%dma_start3A_27 : memref<1600xi32, #tpu.memory_space<hbm>>) target(%dma_start3A_26 : memref<1600xi32, #tpu.memory_space<vmem>>) target_semaphore(%arg17 : memref<!tpu.dma_semaphore, #tpu.memory_space<semaphore_mem>>)
    %dma_start3A_28 = tpu.memref_slice %arg3[%add3A_14] : memref<6400000xf32, #tpu.memory_space<hbm>> -> memref<1600xf32, #tpu.memory_space<hbm>>
    %dma_start3A_29 = tpu.memref_slice %arg3[%add3A_14] : memref<6400000xf32, #tpu.memory_space<hbm>> -> memref<1600xf32, #tpu.memory_space<hbm>>
    tpu.enqueue_dma source(%dma_start3A_29 : memref<1600xf32, #tpu.memory_space<hbm>>) target(%arg8 : memref<1600xf32, #tpu.memory_space<vmem>>) target_semaphore(%arg17 : memref<!tpu.dma_semaphore, #tpu.memory_space<semaphore_mem>>)
    %scan3A_30 = arith.constant 0 : i32
    %scan3A_31 = arith.constant 41 : i32
    %scan3A_32 = arith.addi %scan3A_30, %scan3A_31 : i32
    %scan3A_33 = arith.constant 1 : i32
    scf.for %scan3A_133 = %scan3A_30 to %scan3A_32 step %scan3A_33  : i32 {
      %mul3A_134 = arith.constant 1 : i32
      %mul3A_135 = arith.muli %scan3A_133, %mul3A_134 : i32
      %add3A_136 = arith.constant 0 : i32
      %add3A_137 = arith.addi %add3A_136, %mul3A_135 : i32
      %mul3A_138 = arith.constant 3 : i32
      %mul3A_139 = arith.muli %mul3A_138, %add3A_137 : i32
      %gt3A = arith.constant 0 : i32
      %gt3A_140 = arith.cmpi sgt, %add3A_137, %gt3A : i32
      %convert_element_type3A = arith.extui %gt3A_140 : i1 to i32
      %cond3A = arith.constant 0 : i32
      %cond3A_141 = arith.cmpi ne, %convert_element_type3A, %cond3A : i32
      scf.if %cond3A_141 {
        %dma_wait3A_301 = arith.constant 0 : i32
        %dma_wait3A_302 = tpu.memref_slice %arg16[%dma_wait3A_301] : memref<100352xf32, #tpu.memory_space<vmem_shared>> -> memref<100352xf32, #tpu.memory_space<vmem_shared>>
        tpu.wait_indirect_dma semaphore(%arg21 : memref<!tpu.dma_semaphore, #tpu.memory_space<semaphore_mem>>) src(%arg12 : memref<3200xf32, #tpu.memory_space<vmem>>) dst(%dma_wait3A_302 : memref<100352xf32, #tpu.memory_space<vmem_shared>>)
      } else {
      }
      %add3A_142 = arith.constant 1 : i32
      %add3A_143 = arith.addi %mul3A_139, %add3A_142 : i32
      %mul3A_144 = arith.constant 1600 : i32
      %mul3A_145 = arith.muli %add3A_143, %mul3A_144 : i32
      %add3A_146 = arith.addi %mul3A_2, %mul3A_145 : i32
      %dma_start3A_147 = arith.constant 0 : i32
      %dma_start3A_148 = tpu.memref_slice %arg10[%dma_start3A_147] : memref<3200xi32, #tpu.memory_space<vmem>> -> memref<1600xi32, #tpu.memory_space<vmem>>
      %dma_start3A_149 = tpu.memref_slice %arg2[%add3A_146] : memref<12800000xi32, #tpu.memory_space<hbm>> -> memref<1600xi32, #tpu.memory_space<hbm>>
      %dma_start3A_150 = arith.constant 0 : i32
      %dma_start3A_151 = tpu.memref_slice %arg10[%dma_start3A_150] : memref<3200xi32, #tpu.memory_space<vmem>> -> memref<1600xi32, #tpu.memory_space<vmem>>
      %dma_start3A_152 = tpu.memref_slice %arg2[%add3A_146] : memref<12800000xi32, #tpu.memory_space<hbm>> -> memref<1600xi32, #tpu.memory_space<hbm>>
      tpu.enqueue_dma source(%dma_start3A_152 : memref<1600xi32, #tpu.memory_space<hbm>>) target(%dma_start3A_151 : memref<1600xi32, #tpu.memory_space<vmem>>) target_semaphore(%arg18 : memref<!tpu.dma_semaphore, #tpu.memory_space<semaphore_mem>>)
      %add3A_153 = arith.constant 6400000 : i32
      %add3A_154 = arith.addi %add3A_153, %add3A_146 : i32
      %dma_start3A_155 = arith.constant 1600 : i32
      %dma_start3A_156 = tpu.memref_slice %arg10[%dma_start3A_155] : memref<3200xi32, #tpu.memory_space<vmem>> -> memref<1600xi32, #tpu.memory_space<vmem>>
      %dma_start3A_157 = tpu.memref_slice %arg2[%add3A_154] : memref<12800000xi32, #tpu.memory_space<hbm>> -> memref<1600xi32, #tpu.memory_space<hbm>>
      %dma_start3A_158 = arith.constant 1600 : i32
      %dma_start3A_159 = tpu.memref_slice %arg10[%dma_start3A_158] : memref<3200xi32, #tpu.memory_space<vmem>> -> memref<1600xi32, #tpu.memory_space<vmem>>
      %dma_start3A_160 = tpu.memref_slice %arg2[%add3A_154] : memref<12800000xi32, #tpu.memory_space<hbm>> -> memref<1600xi32, #tpu.memory_space<hbm>>
      tpu.enqueue_dma source(%dma_start3A_160 : memref<1600xi32, #tpu.memory_space<hbm>>) target(%dma_start3A_159 : memref<1600xi32, #tpu.memory_space<vmem>>) target_semaphore(%arg18 : memref<!tpu.dma_semaphore, #tpu.memory_space<semaphore_mem>>)
      %dma_start3A_161 = tpu.memref_slice %arg3[%add3A_146] : memref<6400000xf32, #tpu.memory_space<hbm>> -> memref<1600xf32, #tpu.memory_space<hbm>>
      %dma_start3A_162 = tpu.memref_slice %arg3[%add3A_146] : memref<6400000xf32, #tpu.memory_space<hbm>> -> memref<1600xf32, #tpu.memory_space<hbm>>
      tpu.enqueue_dma source(%dma_start3A_162 : memref<1600xf32, #tpu.memory_space<hbm>>) target(%arg11 : memref<1600xf32, #tpu.memory_space<vmem>>) target_semaphore(%arg18 : memref<!tpu.dma_semaphore, #tpu.memory_space<semaphore_mem>>)
      %dma_wait3A_163 = arith.constant 0 : i32
      %dma_wait3A_164 = tpu.memref_slice %arg7[%dma_wait3A_163] : memref<3200xi32, #tpu.memory_space<vmem>> -> memref<1600xi32, #tpu.memory_space<vmem>>
      %dma_wait3A_165 = arith.constant 0 : i32
      %dma_wait3A_166 = tpu.memref_slice %arg2[%dma_wait3A_165] : memref<12800000xi32, #tpu.memory_space<hbm>> -> memref<1600xi32, #tpu.memory_space<hbm>>
      %dma_wait3A_167 = arith.constant 0 : i32
      %dma_wait3A_168 = tpu.memref_slice %arg7[%dma_wait3A_167] : memref<3200xi32, #tpu.memory_space<vmem>> -> memref<1600xi32, #tpu.memory_space<vmem>>
      %dma_wait3A_169 = arith.constant 0 : i32
      %dma_wait3A_170 = tpu.memref_slice %arg2[%dma_wait3A_169] : memref<12800000xi32, #tpu.memory_space<hbm>> -> memref<1600xi32, #tpu.memory_space<hbm>>
      tpu.wait_dma2 semaphore(%arg17 : memref<!tpu.dma_semaphore, #tpu.memory_space<semaphore_mem>>) src(%dma_wait3A_170 : memref<1600xi32, #tpu.memory_space<hbm>>) dst(%dma_wait3A_168 : memref<1600xi32, #tpu.memory_space<vmem>>)
      %dma_wait3A_171 = arith.constant 1600 : i32
      %dma_wait3A_172 = tpu.memref_slice %arg7[%dma_wait3A_171] : memref<3200xi32, #tpu.memory_space<vmem>> -> memref<1600xi32, #tpu.memory_space<vmem>>
      %dma_wait3A_173 = arith.constant 0 : i32
      %dma_wait3A_174 = tpu.memref_slice %arg2[%dma_wait3A_173] : memref<12800000xi32, #tpu.memory_space<hbm>> -> memref<1600xi32, #tpu.memory_space<hbm>>
      %dma_wait3A_175 = arith.constant 1600 : i32
      %dma_wait3A_176 = tpu.memref_slice %arg7[%dma_wait3A_175] : memref<3200xi32, #tpu.memory_space<vmem>> -> memref<1600xi32, #tpu.memory_space<vmem>>
      %dma_wait3A_177 = arith.constant 0 : i32
      %dma_wait3A_178 = tpu.memref_slice %arg2[%dma_wait3A_177] : memref<12800000xi32, #tpu.memory_space<hbm>> -> memref<1600xi32, #tpu.memory_space<hbm>>
      tpu.wait_dma2 semaphore(%arg17 : memref<!tpu.dma_semaphore, #tpu.memory_space<semaphore_mem>>) src(%dma_wait3A_178 : memref<1600xi32, #tpu.memory_space<hbm>>) dst(%dma_wait3A_176 : memref<1600xi32, #tpu.memory_space<vmem>>)
      %dma_wait3A_179 = arith.constant 0 : i32
      %dma_wait3A_180 = tpu.memref_slice %arg3[%dma_wait3A_179] : memref<6400000xf32, #tpu.memory_space<hbm>> -> memref<1600xf32, #tpu.memory_space<hbm>>
      %dma_wait3A_181 = arith.constant 0 : i32
      %dma_wait3A_182 = tpu.memref_slice %arg3[%dma_wait3A_181] : memref<6400000xf32, #tpu.memory_space<hbm>> -> memref<1600xf32, #tpu.memory_space<hbm>>
      tpu.wait_dma2 semaphore(%arg17 : memref<!tpu.dma_semaphore, #tpu.memory_space<semaphore_mem>>) src(%dma_wait3A_182 : memref<1600xf32, #tpu.memory_space<hbm>>) dst(%arg8 : memref<1600xf32, #tpu.memory_space<vmem>>)
      %scan3A_183 = arith.constant 0 : i32
      %scan3A_184 = arith.constant 100 : i32
      %scan3A_185 = arith.addi %scan3A_183, %scan3A_184 : i32
      %scan3A_186 = arith.constant 1 : i32
      scf.for %scan3A_301 = %scan3A_183 to %scan3A_185 step %scan3A_186  : i32 {
        %mul3A_302 = arith.constant 16 : i32
        %mul3A_303 = arith.muli %scan3A_301, %mul3A_302 : i32
        %add3A_304 = arith.constant 0 : i32
        %add3A_305 = arith.addi %add3A_304, %mul3A_303 : i32
        %get3A = arith.index_cast %add3A_305 : i32 to index
        %get3A_306 = tpu.vector_load %arg7[%get3A] {strides = array<i32>} : memref<3200xi32, #tpu.memory_space<vmem>>, vector<16xi32>,
        %add3A_307 = arith.constant 1600 : i32
        %add3A_308 = arith.addi %add3A_307, %add3A_305 : i32
        %get3A_309 = arith.index_cast %add3A_308 : i32 to index
        %get3A_310 = tpu.vector_load %arg7[%get3A_309] {strides = array<i32>} : memref<3200xi32, #tpu.memory_space<vmem>>, vector<16xi32>,
        %get3A_311 = arith.index_cast %add3A_305 : i32 to index
        %get3A_312 = tpu.vector_load %arg8[%get3A_311] {strides = array<i32>} : memref<1600xf32, #tpu.memory_space<vmem>>, vector<16xf32>,
        %gather3A = tpu.vector_load_idx %arg6[%get3A_306] : memref<100000xf32, #tpu.memory_space<vmem>>[vector<16xi32>], vector<16xf32>,
        %gather3A_313 = tpu.vector_load_idx %arg6[%get3A_310] : memref<100000xf32, #tpu.memory_space<vmem>>[vector<16xi32>], vector<16xf32>,
        %sub3A = arith.subf %gather3A, %gather3A_313 : vector<16xf32>
        %abs3A = math.absf %sub3A : vector<16xf32>
        %mul3A_314 = arith.constant 0.00999999977 : f32
        %mul3A_315 = vector.broadcast %mul3A_314 : f32 to vector<16xf32>
        %mul3A_316 = arith.mulf %get3A_312, %mul3A_315 : vector<16xf32>
        %mul3A_317 = arith.mulf %abs3A, %mul3A_316 : vector<16xf32>
        %add3A_318 = arith.constant 1600 : i32
        %add3A_319 = arith.addi %add3A_318, %add3A_305 : i32
        %swap3A = arith.index_cast %add3A_319 : i32 to index
        %swap3A_320 = tpu.vector_load %arg9[%swap3A] {strides = array<i32>} : memref<3200xf32, #tpu.memory_space<vmem>>, vector<16xf32>,
        tpu.vector_store %arg9[%swap3A], %mul3A_317 {strides = array<i32>} : memref<3200xf32, #tpu.memory_space<vmem>>, vector<16xf32>,
        %neg3A = arith.constant 0.000000e+00 : f32
        %neg3A_321 = vector.broadcast %neg3A : f32 to vector<16xf32>
        %neg3A_322 = arith.subf %neg3A_321, %mul3A_317 : vector<16xf32>
        %swap3A_323 = arith.index_cast %add3A_305 : i32 to index
        %swap3A_324 = tpu.vector_load %arg9[%swap3A_323] {strides = array<i32>} : memref<3200xf32, #tpu.memory_space<vmem>>, vector<16xf32>,
        tpu.vector_store %arg9[%swap3A_323], %neg3A_322 {strides = array<i32>} : memref<3200xf32, #tpu.memory_space<vmem>>, vector<16xf32>,
      }
      %scan3A_187 = arith.constant 100 : i32
      %dma_start3A_188 = arith.constant 0 : i32
      %dma_start3A_189 = tpu.memref_slice %arg16[%dma_start3A_188] : memref<100352xf32, #tpu.memory_space<vmem_shared>> -> memref<100352xf32, #tpu.memory_space<vmem_shared>>
      tpu.enqueue_indirect_dma source(%arg9 : memref<3200xf32, #tpu.memory_space<vmem>>) target(%dma_start3A_189 : memref<100352xf32, #tpu.memory_space<vmem_shared>>) offsets(%arg7 : memref<3200xi32, #tpu.memory_space<vmem>>) semaphore(%arg20 : memref<!tpu.dma_semaphore, #tpu.memory_space<semaphore_mem>>) {add = true}
      %mul3A_190 = arith.constant 3 : i32
      %mul3A_191 = arith.muli %mul3A_190, %add3A_137 : i32
      %add3A_192 = arith.constant 1 : i32
      %add3A_193 = arith.addi %mul3A_191, %add3A_192 : i32
      %gt3A_194 = arith.constant 0 : i32
      %gt3A_195 = arith.cmpi sgt, %add3A_137, %gt3A_194 : i32
      %convert_element_type3A_196 = arith.extui %gt3A_195 : i1 to i32
      %cond3A_197 = arith.constant 0 : i32
      %cond3A_198 = arith.cmpi ne, %convert_element_type3A_196, %cond3A_197 : i32
      scf.if %cond3A_198 {
        %dma_wait3A_301 = arith.constant 0 : i32
        %dma_wait3A_302 = tpu.memref_slice %arg16[%dma_wait3A_301] : memref<100352xf32, #tpu.memory_space<vmem_shared>> -> memref<100352xf32, #tpu.memory_space<vmem_shared>>
        tpu.wait_indirect_dma semaphore(%arg22 : memref<!tpu.dma_semaphore, #tpu.memory_space<semaphore_mem>>) src(%arg15 : memref<3200xf32, #tpu.memory_space<vmem>>) dst(%dma_wait3A_302 : memref<100352xf32, #tpu.memory_space<vmem_shared>>)
      } else {
      }
      %add3A_199 = arith.constant 1 : i32
      %add3A_200 = arith.addi %add3A_193, %add3A_199 : i32
      %mul3A_201 = arith.constant 1600 : i32
      %mul3A_202 = arith.muli %add3A_200, %mul3A_201 : i32
      %add3A_203 = arith.addi %mul3A_2, %mul3A_202 : i32
      %dma_start3A_204 = arith.constant 0 : i32
      %dma_start3A_205 = tpu.memref_slice %arg13[%dma_start3A_204] : memref<3200xi32, #tpu.memory_space<vmem>> -> memref<1600xi32, #tpu.memory_space<vmem>>
      %dma_start3A_206 = tpu.memref_slice %arg2[%add3A_203] : memref<12800000xi32, #tpu.memory_space<hbm>> -> memref<1600xi32, #tpu.memory_space<hbm>>
      %dma_start3A_207 = arith.constant 0 : i32
      %dma_start3A_208 = tpu.memref_slice %arg13[%dma_start3A_207] : memref<3200xi32, #tpu.memory_space<vmem>> -> memref<1600xi32, #tpu.memory_space<vmem>>
      %dma_start3A_209 = tpu.memref_slice %arg2[%add3A_203] : memref<12800000xi32, #tpu.memory_space<hbm>> -> memref<1600xi32, #tpu.memory_space<hbm>>
      tpu.enqueue_dma source(%dma_start3A_209 : memref<1600xi32, #tpu.memory_space<hbm>>) target(%dma_start3A_208 : memref<1600xi32, #tpu.memory_space<vmem>>) target_semaphore(%arg19 : memref<!tpu.dma_semaphore, #tpu.memory_space<semaphore_mem>>)
      %add3A_210 = arith.constant 6400000 : i32
      %add3A_211 = arith.addi %add3A_210, %add3A_203 : i32
      %dma_start3A_212 = arith.constant 1600 : i32
      %dma_start3A_213 = tpu.memref_slice %arg13[%dma_start3A_212] : memref<3200xi32, #tpu.memory_space<vmem>> -> memref<1600xi32, #tpu.memory_space<vmem>>
      %dma_start3A_214 = tpu.memref_slice %arg2[%add3A_211] : memref<12800000xi32, #tpu.memory_space<hbm>> -> memref<1600xi32, #tpu.memory_space<hbm>>
      %dma_start3A_215 = arith.constant 1600 : i32
      %dma_start3A_216 = tpu.memref_slice %arg13[%dma_start3A_215] : memref<3200xi32, #tpu.memory_space<vmem>> -> memref<1600xi32, #tpu.memory_space<vmem>>
      %dma_start3A_217 = tpu.memref_slice %arg2[%add3A_211] : memref<12800000xi32, #tpu.memory_space<hbm>> -> memref<1600xi32, #tpu.memory_space<hbm>>
      tpu.enqueue_dma source(%dma_start3A_217 : memref<1600xi32, #tpu.memory_space<hbm>>) target(%dma_start3A_216 : memref<1600xi32, #tpu.memory_space<vmem>>) target_semaphore(%arg19 : memref<!tpu.dma_semaphore, #tpu.memory_space<semaphore_mem>>)
      %dma_start3A_218 = tpu.memref_slice %arg3[%add3A_203] : memref<6400000xf32, #tpu.memory_space<hbm>> -> memref<1600xf32, #tpu.memory_space<hbm>>
      %dma_start3A_219 = tpu.memref_slice %arg3[%add3A_203] : memref<6400000xf32, #tpu.memory_space<hbm>> -> memref<1600xf32, #tpu.memory_space<hbm>>
      tpu.enqueue_dma source(%dma_start3A_219 : memref<1600xf32, #tpu.memory_space<hbm>>) target(%arg14 : memref<1600xf32, #tpu.memory_space<vmem>>) target_semaphore(%arg19 : memref<!tpu.dma_semaphore, #tpu.memory_space<semaphore_mem>>)
      %dma_wait3A_220 = arith.constant 0 : i32
      %dma_wait3A_221 = tpu.memref_slice %arg10[%dma_wait3A_220] : memref<3200xi32, #tpu.memory_space<vmem>> -> memref<1600xi32, #tpu.memory_space<vmem>>
      %dma_wait3A_222 = arith.constant 0 : i32
      %dma_wait3A_223 = tpu.memref_slice %arg2[%dma_wait3A_222] : memref<12800000xi32, #tpu.memory_space<hbm>> -> memref<1600xi32, #tpu.memory_space<hbm>>
      %dma_wait3A_224 = arith.constant 0 : i32
      %dma_wait3A_225 = tpu.memref_slice %arg10[%dma_wait3A_224] : memref<3200xi32, #tpu.memory_space<vmem>> -> memref<1600xi32, #tpu.memory_space<vmem>>
      %dma_wait3A_226 = arith.constant 0 : i32
      %dma_wait3A_227 = tpu.memref_slice %arg2[%dma_wait3A_226] : memref<12800000xi32, #tpu.memory_space<hbm>> -> memref<1600xi32, #tpu.memory_space<hbm>>
      tpu.wait_dma2 semaphore(%arg18 : memref<!tpu.dma_semaphore, #tpu.memory_space<semaphore_mem>>) src(%dma_wait3A_227 : memref<1600xi32, #tpu.memory_space<hbm>>) dst(%dma_wait3A_225 : memref<1600xi32, #tpu.memory_space<vmem>>)
      %dma_wait3A_228 = arith.constant 1600 : i32
      %dma_wait3A_229 = tpu.memref_slice %arg10[%dma_wait3A_228] : memref<3200xi32, #tpu.memory_space<vmem>> -> memref<1600xi32, #tpu.memory_space<vmem>>
      %dma_wait3A_230 = arith.constant 0 : i32
      %dma_wait3A_231 = tpu.memref_slice %arg2[%dma_wait3A_230] : memref<12800000xi32, #tpu.memory_space<hbm>> -> memref<1600xi32, #tpu.memory_space<hbm>>
      %dma_wait3A_232 = arith.constant 1600 : i32
      %dma_wait3A_233 = tpu.memref_slice %arg10[%dma_wait3A_232] : memref<3200xi32, #tpu.memory_space<vmem>> -> memref<1600xi32, #tpu.memory_space<vmem>>
      %dma_wait3A_234 = arith.constant 0 : i32
      %dma_wait3A_235 = tpu.memref_slice %arg2[%dma_wait3A_234] : memref<12800000xi32, #tpu.memory_space<hbm>> -> memref<1600xi32, #tpu.memory_space<hbm>>
      tpu.wait_dma2 semaphore(%arg18 : memref<!tpu.dma_semaphore, #tpu.memory_space<semaphore_mem>>) src(%dma_wait3A_235 : memref<1600xi32, #tpu.memory_space<hbm>>) dst(%dma_wait3A_233 : memref<1600xi32, #tpu.memory_space<vmem>>)
      %dma_wait3A_236 = arith.constant 0 : i32
      %dma_wait3A_237 = tpu.memref_slice %arg3[%dma_wait3A_236] : memref<6400000xf32, #tpu.memory_space<hbm>> -> memref<1600xf32, #tpu.memory_space<hbm>>
      %dma_wait3A_238 = arith.constant 0 : i32
      %dma_wait3A_239 = tpu.memref_slice %arg3[%dma_wait3A_238] : memref<6400000xf32, #tpu.memory_space<hbm>> -> memref<1600xf32, #tpu.memory_space<hbm>>
      tpu.wait_dma2 semaphore(%arg18 : memref<!tpu.dma_semaphore, #tpu.memory_space<semaphore_mem>>) src(%dma_wait3A_239 : memref<1600xf32, #tpu.memory_space<hbm>>) dst(%arg11 : memref<1600xf32, #tpu.memory_space<vmem>>)
      %scan3A_240 = arith.constant 0 : i32
      %scan3A_241 = arith.constant 100 : i32
      %scan3A_242 = arith.addi %scan3A_240, %scan3A_241 : i32
      %scan3A_243 = arith.constant 1 : i32
      scf.for %scan3A_301 = %scan3A_240 to %scan3A_242 step %scan3A_243  : i32 {
        %mul3A_302 = arith.constant 16 : i32
        %mul3A_303 = arith.muli %scan3A_301, %mul3A_302 : i32
        %add3A_304 = arith.constant 0 : i32
        %add3A_305 = arith.addi %add3A_304, %mul3A_303 : i32
        %get3A = arith.index_cast %add3A_305 : i32 to index
        %get3A_306 = tpu.vector_load %arg10[%get3A] {strides = array<i32>} : memref<3200xi32, #tpu.memory_space<vmem>>, vector<16xi32>,
        %add3A_307 = arith.constant 1600 : i32
        %add3A_308 = arith.addi %add3A_307, %add3A_305 : i32
        %get3A_309 = arith.index_cast %add3A_308 : i32 to index
        %get3A_310 = tpu.vector_load %arg10[%get3A_309] {strides = array<i32>} : memref<3200xi32, #tpu.memory_space<vmem>>, vector<16xi32>,
        %get3A_311 = arith.index_cast %add3A_305 : i32 to index
        %get3A_312 = tpu.vector_load %arg11[%get3A_311] {strides = array<i32>} : memref<1600xf32, #tpu.memory_space<vmem>>, vector<16xf32>,
        %gather3A = tpu.vector_load_idx %arg6[%get3A_306] : memref<100000xf32, #tpu.memory_space<vmem>>[vector<16xi32>], vector<16xf32>,
        %gather3A_313 = tpu.vector_load_idx %arg6[%get3A_310] : memref<100000xf32, #tpu.memory_space<vmem>>[vector<16xi32>], vector<16xf32>,
        %sub3A = arith.subf %gather3A, %gather3A_313 : vector<16xf32>
        %abs3A = math.absf %sub3A : vector<16xf32>
        %mul3A_314 = arith.constant 0.00999999977 : f32
        %mul3A_315 = vector.broadcast %mul3A_314 : f32 to vector<16xf32>
        %mul3A_316 = arith.mulf %get3A_312, %mul3A_315 : vector<16xf32>
        %mul3A_317 = arith.mulf %abs3A, %mul3A_316 : vector<16xf32>
        %add3A_318 = arith.constant 1600 : i32
        %add3A_319 = arith.addi %add3A_318, %add3A_305 : i32
        %swap3A = arith.index_cast %add3A_319 : i32 to index
        %swap3A_320 = tpu.vector_load %arg12[%swap3A] {strides = array<i32>} : memref<3200xf32, #tpu.memory_space<vmem>>, vector<16xf32>,
        tpu.vector_store %arg12[%swap3A], %mul3A_317 {strides = array<i32>} : memref<3200xf32, #tpu.memory_space<vmem>>, vector<16xf32>,
        %neg3A = arith.constant 0.000000e+00 : f32
        %neg3A_321 = vector.broadcast %neg3A : f32 to vector<16xf32>
        %neg3A_322 = arith.subf %neg3A_321, %mul3A_317 : vector<16xf32>
        %swap3A_323 = arith.index_cast %add3A_305 : i32 to index
        %swap3A_324 = tpu.vector_load %arg12[%swap3A_323] {strides = array<i32>} : memref<3200xf32, #tpu.memory_space<vmem>>, vector<16xf32>,
        tpu.vector_store %arg12[%swap3A_323], %neg3A_322 {strides = array<i32>} : memref<3200xf32, #tpu.memory_space<vmem>>, vector<16xf32>,
      }
      %scan3A_244 = arith.constant 100 : i32
      %dma_start3A_245 = arith.constant 0 : i32
      %dma_start3A_246 = tpu.memref_slice %arg16[%dma_start3A_245] : memref<100352xf32, #tpu.memory_space<vmem_shared>> -> memref<100352xf32, #tpu.memory_space<vmem_shared>>
      tpu.enqueue_indirect_dma source(%arg12 : memref<3200xf32, #tpu.memory_space<vmem>>) target(%dma_start3A_246 : memref<100352xf32, #tpu.memory_space<vmem_shared>>) offsets(%arg10 : memref<3200xi32, #tpu.memory_space<vmem>>) semaphore(%arg21 : memref<!tpu.dma_semaphore, #tpu.memory_space<semaphore_mem>>) {add = true}
      %mul3A_247 = arith.constant 3 : i32
      %mul3A_248 = arith.muli %mul3A_247, %add3A_137 : i32
      %add3A_249 = arith.constant 2 : i32
      %add3A_250 = arith.addi %mul3A_248, %add3A_249 : i32
      %dma_wait3A_251 = arith.constant 0 : i32
      %dma_wait3A_252 = tpu.memref_slice %arg16[%dma_wait3A_251] : memref<100352xf32, #tpu.memory_space<vmem_shared>> -> memref<100352xf32, #tpu.memory_space<vmem_shared>>
      tpu.wait_indirect_dma semaphore(%arg20 : memref<!tpu.dma_semaphore, #tpu.memory_space<semaphore_mem>>) src(%arg9 : memref<3200xf32, #tpu.memory_space<vmem>>) dst(%dma_wait3A_252 : memref<100352xf32, #tpu.memory_space<vmem_shared>>)
      %add3A_253 = arith.constant 1 : i32
      %add3A_254 = arith.addi %add3A_250, %add3A_253 : i32
      %mul3A_255 = arith.constant 1600 : i32
      %mul3A_256 = arith.muli %add3A_254, %mul3A_255 : i32
      %add3A_257 = arith.addi %mul3A_2, %mul3A_256 : i32
      %dma_start3A_258 = arith.constant 0 : i32
      %dma_start3A_259 = tpu.memref_slice %arg7[%dma_start3A_258] : memref<3200xi32, #tpu.memory_space<vmem>> -> memref<1600xi32, #tpu.memory_space<vmem>>
      %dma_start3A_260 = tpu.memref_slice %arg2[%add3A_257] : memref<12800000xi32, #tpu.memory_space<hbm>> -> memref<1600xi32, #tpu.memory_space<hbm>>
      %dma_start3A_261 = arith.constant 0 : i32
      %dma_start3A_262 = tpu.memref_slice %arg7[%dma_start3A_261] : memref<3200xi32, #tpu.memory_space<vmem>> -> memref<1600xi32, #tpu.memory_space<vmem>>
      %dma_start3A_263 = tpu.memref_slice %arg2[%add3A_257] : memref<12800000xi32, #tpu.memory_space<hbm>> -> memref<1600xi32, #tpu.memory_space<hbm>>
      tpu.enqueue_dma source(%dma_start3A_263 : memref<1600xi32, #tpu.memory_space<hbm>>) target(%dma_start3A_262 : memref<1600xi32, #tpu.memory_space<vmem>>) target_semaphore(%arg17 : memref<!tpu.dma_semaphore, #tpu.memory_space<semaphore_mem>>)
      %add3A_264 = arith.constant 6400000 : i32
      %add3A_265 = arith.addi %add3A_264, %add3A_257 : i32
      %dma_start3A_266 = arith.constant 1600 : i32
      %dma_start3A_267 = tpu.memref_slice %arg7[%dma_start3A_266] : memref<3200xi32, #tpu.memory_space<vmem>> -> memref<1600xi32, #tpu.memory_space<vmem>>
      %dma_start3A_268 = tpu.memref_slice %arg2[%add3A_265] : memref<12800000xi32, #tpu.memory_space<hbm>> -> memref<1600xi32, #tpu.memory_space<hbm>>
      %dma_start3A_269 = arith.constant 1600 : i32
      %dma_start3A_270 = tpu.memref_slice %arg7[%dma_start3A_269] : memref<3200xi32, #tpu.memory_space<vmem>> -> memref<1600xi32, #tpu.memory_space<vmem>>
      %dma_start3A_271 = tpu.memref_slice %arg2[%add3A_265] : memref<12800000xi32, #tpu.memory_space<hbm>> -> memref<1600xi32, #tpu.memory_space<hbm>>
      tpu.enqueue_dma source(%dma_start3A_271 : memref<1600xi32, #tpu.memory_space<hbm>>) target(%dma_start3A_270 : memref<1600xi32, #tpu.memory_space<vmem>>) target_semaphore(%arg17 : memref<!tpu.dma_semaphore, #tpu.memory_space<semaphore_mem>>)
      %dma_start3A_272 = tpu.memref_slice %arg3[%add3A_257] : memref<6400000xf32, #tpu.memory_space<hbm>> -> memref<1600xf32, #tpu.memory_space<hbm>>
      %dma_start3A_273 = tpu.memref_slice %arg3[%add3A_257] : memref<6400000xf32, #tpu.memory_space<hbm>> -> memref<1600xf32, #tpu.memory_space<hbm>>
      tpu.enqueue_dma source(%dma_start3A_273 : memref<1600xf32, #tpu.memory_space<hbm>>) target(%arg8 : memref<1600xf32, #tpu.memory_space<vmem>>) target_semaphore(%arg17 : memref<!tpu.dma_semaphore, #tpu.memory_space<semaphore_mem>>)
      %dma_wait3A_274 = arith.constant 0 : i32
      %dma_wait3A_275 = tpu.memref_slice %arg13[%dma_wait3A_274] : memref<3200xi32, #tpu.memory_space<vmem>> -> memref<1600xi32, #tpu.memory_space<vmem>>
      %dma_wait3A_276 = arith.constant 0 : i32
      %dma_wait3A_277 = tpu.memref_slice %arg2[%dma_wait3A_276] : memref<12800000xi32, #tpu.memory_space<hbm>> -> memref<1600xi32, #tpu.memory_space<hbm>>
      %dma_wait3A_278 = arith.constant 0 : i32
      %dma_wait3A_279 = tpu.memref_slice %arg13[%dma_wait3A_278] : memref<3200xi32, #tpu.memory_space<vmem>> -> memref<1600xi32, #tpu.memory_space<vmem>>
      %dma_wait3A_280 = arith.constant 0 : i32
      %dma_wait3A_281 = tpu.memref_slice %arg2[%dma_wait3A_280] : memref<12800000xi32, #tpu.memory_space<hbm>> -> memref<1600xi32, #tpu.memory_space<hbm>>
      tpu.wait_dma2 semaphore(%arg19 : memref<!tpu.dma_semaphore, #tpu.memory_space<semaphore_mem>>) src(%dma_wait3A_281 : memref<1600xi32, #tpu.memory_space<hbm>>) dst(%dma_wait3A_279 : memref<1600xi32, #tpu.memory_space<vmem>>)
      %dma_wait3A_282 = arith.constant 1600 : i32
      %dma_wait3A_283 = tpu.memref_slice %arg13[%dma_wait3A_282] : memref<3200xi32, #tpu.memory_space<vmem>> -> memref<1600xi32, #tpu.memory_space<vmem>>
      %dma_wait3A_284 = arith.constant 0 : i32
      %dma_wait3A_285 = tpu.memref_slice %arg2[%dma_wait3A_284] : memref<12800000xi32, #tpu.memory_space<hbm>> -> memref<1600xi32, #tpu.memory_space<hbm>>
      %dma_wait3A_286 = arith.constant 1600 : i32
      %dma_wait3A_287 = tpu.memref_slice %arg13[%dma_wait3A_286] : memref<3200xi32, #tpu.memory_space<vmem>> -> memref<1600xi32, #tpu.memory_space<vmem>>
      %dma_wait3A_288 = arith.constant 0 : i32
      %dma_wait3A_289 = tpu.memref_slice %arg2[%dma_wait3A_288] : memref<12800000xi32, #tpu.memory_space<hbm>> -> memref<1600xi32, #tpu.memory_space<hbm>>
      tpu.wait_dma2 semaphore(%arg19 : memref<!tpu.dma_semaphore, #tpu.memory_space<semaphore_mem>>) src(%dma_wait3A_289 : memref<1600xi32, #tpu.memory_space<hbm>>) dst(%dma_wait3A_287 : memref<1600xi32, #tpu.memory_space<vmem>>)
      %dma_wait3A_290 = arith.constant 0 : i32
      %dma_wait3A_291 = tpu.memref_slice %arg3[%dma_wait3A_290] : memref<6400000xf32, #tpu.memory_space<hbm>> -> memref<1600xf32, #tpu.memory_space<hbm>>
      %dma_wait3A_292 = arith.constant 0 : i32
      %dma_wait3A_293 = tpu.memref_slice %arg3[%dma_wait3A_292] : memref<6400000xf32, #tpu.memory_space<hbm>> -> memref<1600xf32, #tpu.memory_space<hbm>>
      tpu.wait_dma2 semaphore(%arg19 : memref<!tpu.dma_semaphore, #tpu.memory_space<semaphore_mem>>) src(%dma_wait3A_293 : memref<1600xf32, #tpu.memory_space<hbm>>) dst(%arg14 : memref<1600xf32, #tpu.memory_space<vmem>>)
      %scan3A_294 = arith.constant 0 : i32
      %scan3A_295 = arith.constant 100 : i32
      %scan3A_296 = arith.addi %scan3A_294, %scan3A_295 : i32
      %scan3A_297 = arith.constant 1 : i32
      scf.for %scan3A_301 = %scan3A_294 to %scan3A_296 step %scan3A_297  : i32 {
        %mul3A_302 = arith.constant 16 : i32
        %mul3A_303 = arith.muli %scan3A_301, %mul3A_302 : i32
        %add3A_304 = arith.constant 0 : i32
        %add3A_305 = arith.addi %add3A_304, %mul3A_303 : i32
        %get3A = arith.index_cast %add3A_305 : i32 to index
        %get3A_306 = tpu.vector_load %arg13[%get3A] {strides = array<i32>} : memref<3200xi32, #tpu.memory_space<vmem>>, vector<16xi32>,
        %add3A_307 = arith.constant 1600 : i32
        %add3A_308 = arith.addi %add3A_307, %add3A_305 : i32
        %get3A_309 = arith.index_cast %add3A_308 : i32 to index
        %get3A_310 = tpu.vector_load %arg13[%get3A_309] {strides = array<i32>} : memref<3200xi32, #tpu.memory_space<vmem>>, vector<16xi32>,
        %get3A_311 = arith.index_cast %add3A_305 : i32 to index
        %get3A_312 = tpu.vector_load %arg14[%get3A_311] {strides = array<i32>} : memref<1600xf32, #tpu.memory_space<vmem>>, vector<16xf32>,
        %gather3A = tpu.vector_load_idx %arg6[%get3A_306] : memref<100000xf32, #tpu.memory_space<vmem>>[vector<16xi32>], vector<16xf32>,
        %gather3A_313 = tpu.vector_load_idx %arg6[%get3A_310] : memref<100000xf32, #tpu.memory_space<vmem>>[vector<16xi32>], vector<16xf32>,
        %sub3A = arith.subf %gather3A, %gather3A_313 : vector<16xf32>
        %abs3A = math.absf %sub3A : vector<16xf32>
        %mul3A_314 = arith.constant 0.00999999977 : f32
        %mul3A_315 = vector.broadcast %mul3A_314 : f32 to vector<16xf32>
        %mul3A_316 = arith.mulf %get3A_312, %mul3A_315 : vector<16xf32>
        %mul3A_317 = arith.mulf %abs3A, %mul3A_316 : vector<16xf32>
        %add3A_318 = arith.constant 1600 : i32
        %add3A_319 = arith.addi %add3A_318, %add3A_305 : i32
        %swap3A = arith.index_cast %add3A_319 : i32 to index
        %swap3A_320 = tpu.vector_load %arg15[%swap3A] {strides = array<i32>} : memref<3200xf32, #tpu.memory_space<vmem>>, vector<16xf32>,
        tpu.vector_store %arg15[%swap3A], %mul3A_317 {strides = array<i32>} : memref<3200xf32, #tpu.memory_space<vmem>>, vector<16xf32>,
        %neg3A = arith.constant 0.000000e+00 : f32
        %neg3A_321 = vector.broadcast %neg3A : f32 to vector<16xf32>
        %neg3A_322 = arith.subf %neg3A_321, %mul3A_317 : vector<16xf32>
        %swap3A_323 = arith.index_cast %add3A_305 : i32 to index
        %swap3A_324 = tpu.vector_load %arg15[%swap3A_323] {strides = array<i32>} : memref<3200xf32, #tpu.memory_space<vmem>>, vector<16xf32>,
        tpu.vector_store %arg15[%swap3A_323], %neg3A_322 {strides = array<i32>} : memref<3200xf32, #tpu.memory_space<vmem>>, vector<16xf32>,
      }
      %scan3A_298 = arith.constant 100 : i32
      %dma_start3A_299 = arith.constant 0 : i32
      %dma_start3A_300 = tpu.memref_slice %arg16[%dma_start3A_299] : memref<100352xf32, #tpu.memory_space<vmem_shared>> -> memref<100352xf32, #tpu.memory_space<vmem_shared>>
      tpu.enqueue_indirect_dma source(%arg15 : memref<3200xf32, #tpu.memory_space<vmem>>) target(%dma_start3A_300 : memref<100352xf32, #tpu.memory_space<vmem_shared>>) offsets(%arg13 : memref<3200xi32, #tpu.memory_space<vmem>>) semaphore(%arg22 : memref<!tpu.dma_semaphore, #tpu.memory_space<semaphore_mem>>) {add = true}
    }
    %scan3A_34 = arith.constant 41 : i32
    %dma_wait3A = arith.constant 0 : i32
    %dma_wait3A_35 = tpu.memref_slice %arg16[%dma_wait3A] : memref<100352xf32, #tpu.memory_space<vmem_shared>> -> memref<100352xf32, #tpu.memory_space<vmem_shared>>
    tpu.wait_indirect_dma semaphore(%arg21 : memref<!tpu.dma_semaphore, #tpu.memory_space<semaphore_mem>>) src(%arg12 : memref<3200xf32, #tpu.memory_space<vmem>>) dst(%dma_wait3A_35 : memref<100352xf32, #tpu.memory_space<vmem_shared>>)
    %add3A_36 = arith.constant 198400 : i32
    %add3A_37 = arith.addi %mul3A_2, %add3A_36 : i32
    %dma_start3A_38 = arith.constant 0 : i32
    %dma_start3A_39 = tpu.memref_slice %arg10[%dma_start3A_38] : memref<3200xi32, #tpu.memory_space<vmem>> -> memref<1600xi32, #tpu.memory_space<vmem>>
    %dma_start3A_40 = tpu.memref_slice %arg2[%add3A_37] : memref<12800000xi32, #tpu.memory_space<hbm>> -> memref<1600xi32, #tpu.memory_space<hbm>>
    %dma_start3A_41 = arith.constant 0 : i32
    %dma_start3A_42 = tpu.memref_slice %arg10[%dma_start3A_41] : memref<3200xi32, #tpu.memory_space<vmem>> -> memref<1600xi32, #tpu.memory_space<vmem>>
    %dma_start3A_43 = tpu.memref_slice %arg2[%add3A_37] : memref<12800000xi32, #tpu.memory_space<hbm>> -> memref<1600xi32, #tpu.memory_space<hbm>>
    tpu.enqueue_dma source(%dma_start3A_43 : memref<1600xi32, #tpu.memory_space<hbm>>) target(%dma_start3A_42 : memref<1600xi32, #tpu.memory_space<vmem>>) target_semaphore(%arg18 : memref<!tpu.dma_semaphore, #tpu.memory_space<semaphore_mem>>)
    %add3A_44 = arith.constant 6400000 : i32
    %add3A_45 = arith.addi %add3A_44, %add3A_37 : i32
    %dma_start3A_46 = arith.constant 1600 : i32
    %dma_start3A_47 = tpu.memref_slice %arg10[%dma_start3A_46] : memref<3200xi32, #tpu.memory_space<vmem>> -> memref<1600xi32, #tpu.memory_space<vmem>>
    %dma_start3A_48 = tpu.memref_slice %arg2[%add3A_45] : memref<12800000xi32, #tpu.memory_space<hbm>> -> memref<1600xi32, #tpu.memory_space<hbm>>
    %dma_start3A_49 = arith.constant 1600 : i32
    %dma_start3A_50 = tpu.memref_slice %arg10[%dma_start3A_49] : memref<3200xi32, #tpu.memory_space<vmem>> -> memref<1600xi32, #tpu.memory_space<vmem>>
    %dma_start3A_51 = tpu.memref_slice %arg2[%add3A_45] : memref<12800000xi32, #tpu.memory_space<hbm>> -> memref<1600xi32, #tpu.memory_space<hbm>>
    tpu.enqueue_dma source(%dma_start3A_51 : memref<1600xi32, #tpu.memory_space<hbm>>) target(%dma_start3A_50 : memref<1600xi32, #tpu.memory_space<vmem>>) target_semaphore(%arg18 : memref<!tpu.dma_semaphore, #tpu.memory_space<semaphore_mem>>)
    %dma_start3A_52 = tpu.memref_slice %arg3[%add3A_37] : memref<6400000xf32, #tpu.memory_space<hbm>> -> memref<1600xf32, #tpu.memory_space<hbm>>
    %dma_start3A_53 = tpu.memref_slice %arg3[%add3A_37] : memref<6400000xf32, #tpu.memory_space<hbm>> -> memref<1600xf32, #tpu.memory_space<hbm>>
    tpu.enqueue_dma source(%dma_start3A_53 : memref<1600xf32, #tpu.memory_space<hbm>>) target(%arg11 : memref<1600xf32, #tpu.memory_space<vmem>>) target_semaphore(%arg18 : memref<!tpu.dma_semaphore, #tpu.memory_space<semaphore_mem>>)
    %dma_wait3A_54 = arith.constant 0 : i32
    %dma_wait3A_55 = tpu.memref_slice %arg7[%dma_wait3A_54] : memref<3200xi32, #tpu.memory_space<vmem>> -> memref<1600xi32, #tpu.memory_space<vmem>>
    %dma_wait3A_56 = arith.constant 0 : i32
    %dma_wait3A_57 = tpu.memref_slice %arg2[%dma_wait3A_56] : memref<12800000xi32, #tpu.memory_space<hbm>> -> memref<1600xi32, #tpu.memory_space<hbm>>
    %dma_wait3A_58 = arith.constant 0 : i32
    %dma_wait3A_59 = tpu.memref_slice %arg7[%dma_wait3A_58] : memref<3200xi32, #tpu.memory_space<vmem>> -> memref<1600xi32, #tpu.memory_space<vmem>>
    %dma_wait3A_60 = arith.constant 0 : i32
    %dma_wait3A_61 = tpu.memref_slice %arg2[%dma_wait3A_60] : memref<12800000xi32, #tpu.memory_space<hbm>> -> memref<1600xi32, #tpu.memory_space<hbm>>
    tpu.wait_dma2 semaphore(%arg17 : memref<!tpu.dma_semaphore, #tpu.memory_space<semaphore_mem>>) src(%dma_wait3A_61 : memref<1600xi32, #tpu.memory_space<hbm>>) dst(%dma_wait3A_59 : memref<1600xi32, #tpu.memory_space<vmem>>)
    %dma_wait3A_62 = arith.constant 1600 : i32
    %dma_wait3A_63 = tpu.memref_slice %arg7[%dma_wait3A_62] : memref<3200xi32, #tpu.memory_space<vmem>> -> memref<1600xi32, #tpu.memory_space<vmem>>
    %dma_wait3A_64 = arith.constant 0 : i32
    %dma_wait3A_65 = tpu.memref_slice %arg2[%dma_wait3A_64] : memref<12800000xi32, #tpu.memory_space<hbm>> -> memref<1600xi32, #tpu.memory_space<hbm>>
    %dma_wait3A_66 = arith.constant 1600 : i32
    %dma_wait3A_67 = tpu.memref_slice %arg7[%dma_wait3A_66] : memref<3200xi32, #tpu.memory_space<vmem>> -> memref<1600xi32, #tpu.memory_space<vmem>>
    %dma_wait3A_68 = arith.constant 0 : i32
    %dma_wait3A_69 = tpu.memref_slice %arg2[%dma_wait3A_68] : memref<12800000xi32, #tpu.memory_space<hbm>> -> memref<1600xi32, #tpu.memory_space<hbm>>
    tpu.wait_dma2 semaphore(%arg17 : memref<!tpu.dma_semaphore, #tpu.memory_space<semaphore_mem>>) src(%dma_wait3A_69 : memref<1600xi32, #tpu.memory_space<hbm>>) dst(%dma_wait3A_67 : memref<1600xi32, #tpu.memory_space<vmem>>)
    %dma_wait3A_70 = arith.constant 0 : i32
    %dma_wait3A_71 = tpu.memref_slice %arg3[%dma_wait3A_70] : memref<6400000xf32, #tpu.memory_space<hbm>> -> memref<1600xf32, #tpu.memory_space<hbm>>
    %dma_wait3A_72 = arith.constant 0 : i32
    %dma_wait3A_73 = tpu.memref_slice %arg3[%dma_wait3A_72] : memref<6400000xf32, #tpu.memory_space<hbm>> -> memref<1600xf32, #tpu.memory_space<hbm>>
    tpu.wait_dma2 semaphore(%arg17 : memref<!tpu.dma_semaphore, #tpu.memory_space<semaphore_mem>>) src(%dma_wait3A_73 : memref<1600xf32, #tpu.memory_space<hbm>>) dst(%arg8 : memref<1600xf32, #tpu.memory_space<vmem>>)
    %scan3A_74 = arith.constant 0 : i32
    %scan3A_75 = arith.constant 100 : i32
    %scan3A_76 = arith.addi %scan3A_74, %scan3A_75 : i32
    %scan3A_77 = arith.constant 1 : i32
    scf.for %scan3A_133 = %scan3A_74 to %scan3A_76 step %scan3A_77  : i32 {
      %mul3A_134 = arith.constant 16 : i32
      %mul3A_135 = arith.muli %scan3A_133, %mul3A_134 : i32
      %add3A_136 = arith.constant 0 : i32
      %add3A_137 = arith.addi %add3A_136, %mul3A_135 : i32
      %get3A = arith.index_cast %add3A_137 : i32 to index
      %get3A_138 = tpu.vector_load %arg7[%get3A] {strides = array<i32>} : memref<3200xi32, #tpu.memory_space<vmem>>, vector<16xi32>,
      %add3A_139 = arith.constant 1600 : i32
      %add3A_140 = arith.addi %add3A_139, %add3A_137 : i32
      %get3A_141 = arith.index_cast %add3A_140 : i32 to index
      %get3A_142 = tpu.vector_load %arg7[%get3A_141] {strides = array<i32>} : memref<3200xi32, #tpu.memory_space<vmem>>, vector<16xi32>,
      %get3A_143 = arith.index_cast %add3A_137 : i32 to index
      %get3A_144 = tpu.vector_load %arg8[%get3A_143] {strides = array<i32>} : memref<1600xf32, #tpu.memory_space<vmem>>, vector<16xf32>,
      %gather3A = tpu.vector_load_idx %arg6[%get3A_138] : memref<100000xf32, #tpu.memory_space<vmem>>[vector<16xi32>], vector<16xf32>,
      %gather3A_145 = tpu.vector_load_idx %arg6[%get3A_142] : memref<100000xf32, #tpu.memory_space<vmem>>[vector<16xi32>], vector<16xf32>,
      %sub3A = arith.subf %gather3A, %gather3A_145 : vector<16xf32>
      %abs3A = math.absf %sub3A : vector<16xf32>
      %mul3A_146 = arith.constant 0.00999999977 : f32
      %mul3A_147 = vector.broadcast %mul3A_146 : f32 to vector<16xf32>
      %mul3A_148 = arith.mulf %get3A_144, %mul3A_147 : vector<16xf32>
      %mul3A_149 = arith.mulf %abs3A, %mul3A_148 : vector<16xf32>
      %add3A_150 = arith.constant 1600 : i32
      %add3A_151 = arith.addi %add3A_150, %add3A_137 : i32
      %swap3A = arith.index_cast %add3A_151 : i32 to index
      %swap3A_152 = tpu.vector_load %arg9[%swap3A] {strides = array<i32>} : memref<3200xf32, #tpu.memory_space<vmem>>, vector<16xf32>,
      tpu.vector_store %arg9[%swap3A], %mul3A_149 {strides = array<i32>} : memref<3200xf32, #tpu.memory_space<vmem>>, vector<16xf32>,
      %neg3A = arith.constant 0.000000e+00 : f32
      %neg3A_153 = vector.broadcast %neg3A : f32 to vector<16xf32>
      %neg3A_154 = arith.subf %neg3A_153, %mul3A_149 : vector<16xf32>
      %swap3A_155 = arith.index_cast %add3A_137 : i32 to index
      %swap3A_156 = tpu.vector_load %arg9[%swap3A_155] {strides = array<i32>} : memref<3200xf32, #tpu.memory_space<vmem>>, vector<16xf32>,
      tpu.vector_store %arg9[%swap3A_155], %neg3A_154 {strides = array<i32>} : memref<3200xf32, #tpu.memory_space<vmem>>, vector<16xf32>,
    }
    %scan3A_78 = arith.constant 100 : i32
    %dma_start3A_79 = arith.constant 0 : i32
    %dma_start3A_80 = tpu.memref_slice %arg16[%dma_start3A_79] : memref<100352xf32, #tpu.memory_space<vmem_shared>> -> memref<100352xf32, #tpu.memory_space<vmem_shared>>
    tpu.enqueue_indirect_dma source(%arg9 : memref<3200xf32, #tpu.memory_space<vmem>>) target(%dma_start3A_80 : memref<100352xf32, #tpu.memory_space<vmem_shared>>) offsets(%arg7 : memref<3200xi32, #tpu.memory_space<vmem>>) semaphore(%arg20 : memref<!tpu.dma_semaphore, #tpu.memory_space<semaphore_mem>>) {add = true}
    %dma_wait3A_81 = arith.constant 0 : i32
    %dma_wait3A_82 = tpu.memref_slice %arg16[%dma_wait3A_81] : memref<100352xf32, #tpu.memory_space<vmem_shared>> -> memref<100352xf32, #tpu.memory_space<vmem_shared>>
    tpu.wait_indirect_dma semaphore(%arg22 : memref<!tpu.dma_semaphore, #tpu.memory_space<semaphore_mem>>) src(%arg15 : memref<3200xf32, #tpu.memory_space<vmem>>) dst(%dma_wait3A_82 : memref<100352xf32, #tpu.memory_space<vmem_shared>>)
    %dma_wait3A_83 = arith.constant 0 : i32
    %dma_wait3A_84 = tpu.memref_slice %arg10[%dma_wait3A_83] : memref<3200xi32, #tpu.memory_space<vmem>> -> memref<1600xi32, #tpu.memory_space<vmem>>
    %dma_wait3A_85 = arith.constant 0 : i32
    %dma_wait3A_86 = tpu.memref_slice %arg2[%dma_wait3A_85] : memref<12800000xi32, #tpu.memory_space<hbm>> -> memref<1600xi32, #tpu.memory_space<hbm>>
    %dma_wait3A_87 = arith.constant 0 : i32
    %dma_wait3A_88 = tpu.memref_slice %arg10[%dma_wait3A_87] : memref<3200xi32, #tpu.memory_space<vmem>> -> memref<1600xi32, #tpu.memory_space<vmem>>
    %dma_wait3A_89 = arith.constant 0 : i32
    %dma_wait3A_90 = tpu.memref_slice %arg2[%dma_wait3A_89] : memref<12800000xi32, #tpu.memory_space<hbm>> -> memref<1600xi32, #tpu.memory_space<hbm>>
    tpu.wait_dma2 semaphore(%arg18 : memref<!tpu.dma_semaphore, #tpu.memory_space<semaphore_mem>>) src(%dma_wait3A_90 : memref<1600xi32, #tpu.memory_space<hbm>>) dst(%dma_wait3A_88 : memref<1600xi32, #tpu.memory_space<vmem>>)
    %dma_wait3A_91 = arith.constant 1600 : i32
    %dma_wait3A_92 = tpu.memref_slice %arg10[%dma_wait3A_91] : memref<3200xi32, #tpu.memory_space<vmem>> -> memref<1600xi32, #tpu.memory_space<vmem>>
    %dma_wait3A_93 = arith.constant 0 : i32
    %dma_wait3A_94 = tpu.memref_slice %arg2[%dma_wait3A_93] : memref<12800000xi32, #tpu.memory_space<hbm>> -> memref<1600xi32, #tpu.memory_space<hbm>>
    %dma_wait3A_95 = arith.constant 1600 : i32
    %dma_wait3A_96 = tpu.memref_slice %arg10[%dma_wait3A_95] : memref<3200xi32, #tpu.memory_space<vmem>> -> memref<1600xi32, #tpu.memory_space<vmem>>
    %dma_wait3A_97 = arith.constant 0 : i32
    %dma_wait3A_98 = tpu.memref_slice %arg2[%dma_wait3A_97] : memref<12800000xi32, #tpu.memory_space<hbm>> -> memref<1600xi32, #tpu.memory_space<hbm>>
    tpu.wait_dma2 semaphore(%arg18 : memref<!tpu.dma_semaphore, #tpu.memory_space<semaphore_mem>>) src(%dma_wait3A_98 : memref<1600xi32, #tpu.memory_space<hbm>>) dst(%dma_wait3A_96 : memref<1600xi32, #tpu.memory_space<vmem>>)
    %dma_wait3A_99 = arith.constant 0 : i32
    %dma_wait3A_100 = tpu.memref_slice %arg3[%dma_wait3A_99] : memref<6400000xf32, #tpu.memory_space<hbm>> -> memref<1600xf32, #tpu.memory_space<hbm>>
    %dma_wait3A_101 = arith.constant 0 : i32
    %dma_wait3A_102 = tpu.memref_slice %arg3[%dma_wait3A_101] : memref<6400000xf32, #tpu.memory_space<hbm>> -> memref<1600xf32, #tpu.memory_space<hbm>>
    tpu.wait_dma2 semaphore(%arg18 : memref<!tpu.dma_semaphore, #tpu.memory_space<semaphore_mem>>) src(%dma_wait3A_102 : memref<1600xf32, #tpu.memory_space<hbm>>) dst(%arg11 : memref<1600xf32, #tpu.memory_space<vmem>>)
    %scan3A_103 = arith.constant 0 : i32
    %scan3A_104 = arith.constant 100 : i32
    %scan3A_105 = arith.addi %scan3A_103, %scan3A_104 : i32
    %scan3A_106 = arith.constant 1 : i32
    scf.for %scan3A_133 = %scan3A_103 to %scan3A_105 step %scan3A_106  : i32 {
      %mul3A_134 = arith.constant 16 : i32
      %mul3A_135 = arith.muli %scan3A_133, %mul3A_134 : i32
      %add3A_136 = arith.constant 0 : i32
      %add3A_137 = arith.addi %add3A_136, %mul3A_135 : i32
      %get3A = arith.index_cast %add3A_137 : i32 to index
      %get3A_138 = tpu.vector_load %arg10[%get3A] {strides = array<i32>} : memref<3200xi32, #tpu.memory_space<vmem>>, vector<16xi32>,
      %add3A_139 = arith.constant 1600 : i32
      %add3A_140 = arith.addi %add3A_139, %add3A_137 : i32
      %get3A_141 = arith.index_cast %add3A_140 : i32 to index
      %get3A_142 = tpu.vector_load %arg10[%get3A_141] {strides = array<i32>} : memref<3200xi32, #tpu.memory_space<vmem>>, vector<16xi32>,
      %get3A_143 = arith.index_cast %add3A_137 : i32 to index
      %get3A_144 = tpu.vector_load %arg11[%get3A_143] {strides = array<i32>} : memref<1600xf32, #tpu.memory_space<vmem>>, vector<16xf32>,
      %gather3A = tpu.vector_load_idx %arg6[%get3A_138] : memref<100000xf32, #tpu.memory_space<vmem>>[vector<16xi32>], vector<16xf32>,
      %gather3A_145 = tpu.vector_load_idx %arg6[%get3A_142] : memref<100000xf32, #tpu.memory_space<vmem>>[vector<16xi32>], vector<16xf32>,
      %sub3A = arith.subf %gather3A, %gather3A_145 : vector<16xf32>
      %abs3A = math.absf %sub3A : vector<16xf32>
      %mul3A_146 = arith.constant 0.00999999977 : f32
      %mul3A_147 = vector.broadcast %mul3A_146 : f32 to vector<16xf32>
      %mul3A_148 = arith.mulf %get3A_144, %mul3A_147 : vector<16xf32>
      %mul3A_149 = arith.mulf %abs3A, %mul3A_148 : vector<16xf32>
      %add3A_150 = arith.constant 1600 : i32
      %add3A_151 = arith.addi %add3A_150, %add3A_137 : i32
      %swap3A = arith.index_cast %add3A_151 : i32 to index
      %swap3A_152 = tpu.vector_load %arg12[%swap3A] {strides = array<i32>} : memref<3200xf32, #tpu.memory_space<vmem>>, vector<16xf32>,
      tpu.vector_store %arg12[%swap3A], %mul3A_149 {strides = array<i32>} : memref<3200xf32, #tpu.memory_space<vmem>>, vector<16xf32>,
      %neg3A = arith.constant 0.000000e+00 : f32
      %neg3A_153 = vector.broadcast %neg3A : f32 to vector<16xf32>
      %neg3A_154 = arith.subf %neg3A_153, %mul3A_149 : vector<16xf32>
      %swap3A_155 = arith.index_cast %add3A_137 : i32 to index
      %swap3A_156 = tpu.vector_load %arg12[%swap3A_155] {strides = array<i32>} : memref<3200xf32, #tpu.memory_space<vmem>>, vector<16xf32>,
      tpu.vector_store %arg12[%swap3A_155], %neg3A_154 {strides = array<i32>} : memref<3200xf32, #tpu.memory_space<vmem>>, vector<16xf32>,
    }
    %scan3A_107 = arith.constant 100 : i32
    %dma_start3A_108 = arith.constant 0 : i32
    %dma_start3A_109 = tpu.memref_slice %arg16[%dma_start3A_108] : memref<100352xf32, #tpu.memory_space<vmem_shared>> -> memref<100352xf32, #tpu.memory_space<vmem_shared>>
    tpu.enqueue_indirect_dma source(%arg12 : memref<3200xf32, #tpu.memory_space<vmem>>) target(%dma_start3A_109 : memref<100352xf32, #tpu.memory_space<vmem_shared>>) offsets(%arg10 : memref<3200xi32, #tpu.memory_space<vmem>>) semaphore(%arg21 : memref<!tpu.dma_semaphore, #tpu.memory_space<semaphore_mem>>) {add = true}
    %dma_wait3A_110 = arith.constant 0 : i32
    %dma_wait3A_111 = tpu.memref_slice %arg16[%dma_wait3A_110] : memref<100352xf32, #tpu.memory_space<vmem_shared>> -> memref<100352xf32, #tpu.memory_space<vmem_shared>>
    tpu.wait_indirect_dma semaphore(%arg20 : memref<!tpu.dma_semaphore, #tpu.memory_space<semaphore_mem>>) src(%arg9 : memref<3200xf32, #tpu.memory_space<vmem>>) dst(%dma_wait3A_111 : memref<100352xf32, #tpu.memory_space<vmem_shared>>)
    %dma_wait3A_112 = arith.constant 0 : i32
    %dma_wait3A_113 = tpu.memref_slice %arg16[%dma_wait3A_112] : memref<100352xf32, #tpu.memory_space<vmem_shared>> -> memref<100352xf32, #tpu.memory_space<vmem_shared>>
    tpu.wait_indirect_dma semaphore(%arg21 : memref<!tpu.dma_semaphore, #tpu.memory_space<semaphore_mem>>) src(%arg12 : memref<3200xf32, #tpu.memory_space<vmem>>) dst(%dma_wait3A_113 : memref<100352xf32, #tpu.memory_space<vmem_shared>>)
    %barrier3A_114 = arith.constant 0 : index
    tpu.barrier barrier_id(%barrier3A_114)
    %mul3A_115 = arith.constant 6272 : i32
    %mul3A_116 = arith.muli %arg1, %mul3A_115 : i32
    "tpu.region"() ({
      %run_scoped3A = tpu.sem_alloc : memref<!tpu.dma_semaphore, #tpu.memory_space<semaphore_mem>>
      %dma_start3A_133 = tpu.memref_slice %arg16[%mul3A_116] : memref<100352xf32, #tpu.memory_space<vmem_shared>> -> memref<3200xf32, #tpu.memory_space<vmem_shared>>
      %dma_start3A_134 = tpu.memref_slice %arg16[%mul3A_116] : memref<100352xf32, #tpu.memory_space<vmem_shared>> -> memref<3200xf32, #tpu.memory_space<vmem_shared>>
      tpu.enqueue_dma source(%dma_start3A_134 : memref<3200xf32, #tpu.memory_space<vmem_shared>>) target(%arg9 : memref<3200xf32, #tpu.memory_space<vmem>>) target_semaphore(%run_scoped3A : memref<!tpu.dma_semaphore, #tpu.memory_space<semaphore_mem>>)
      %dma_wait3A_135 = tpu.memref_slice %arg16[%mul3A_116] : memref<100352xf32, #tpu.memory_space<vmem_shared>> -> memref<3200xf32, #tpu.memory_space<vmem_shared>>
      %dma_wait3A_136 = tpu.memref_slice %arg16[%mul3A_116] : memref<100352xf32, #tpu.memory_space<vmem_shared>> -> memref<3200xf32, #tpu.memory_space<vmem_shared>>
      tpu.wait_dma2 semaphore(%run_scoped3A : memref<!tpu.dma_semaphore, #tpu.memory_space<semaphore_mem>>) src(%dma_wait3A_136 : memref<3200xf32, #tpu.memory_space<vmem_shared>>) dst(%arg9 : memref<3200xf32, #tpu.memory_space<vmem>>)
      tpu.yield
    }) : () -> ()
    %mul3A_117 = arith.constant 100352 : i32
    %mul3A_118 = arith.muli %arg0, %mul3A_117 : i32
    %mul3A_119 = arith.constant 6272 : i32
    %mul3A_120 = arith.muli %arg1, %mul3A_119 : i32
    %add3A_121 = arith.addi %mul3A_118, %mul3A_120 : i32
    "tpu.region"() ({
      %run_scoped3A = tpu.sem_alloc : memref<!tpu.dma_semaphore, #tpu.memory_space<semaphore_mem>>
      %dma_start3A_133 = tpu.memref_slice %arg5[%add3A_121] : memref<200704xf32, #tpu.memory_space<hbm>> -> memref<3200xf32, #tpu.memory_space<hbm>>
      %dma_start3A_134 = tpu.memref_slice %arg5[%add3A_121] : memref<200704xf32, #tpu.memory_space<hbm>> -> memref<3200xf32, #tpu.memory_space<hbm>>
      tpu.enqueue_dma source(%arg9 : memref<3200xf32, #tpu.memory_space<vmem>>) target(%dma_start3A_134 : memref<3200xf32, #tpu.memory_space<hbm>>) target_semaphore(%run_scoped3A : memref<!tpu.dma_semaphore, #tpu.memory_space<semaphore_mem>>)
      %dma_wait3A_135 = tpu.memref_slice %arg5[%add3A_121] : memref<200704xf32, #tpu.memory_space<hbm>> -> memref<3200xf32, #tpu.memory_space<hbm>>
      %dma_wait3A_136 = tpu.memref_slice %arg5[%add3A_121] : memref<200704xf32, #tpu.memory_space<hbm>> -> memref<3200xf32, #tpu.memory_space<hbm>>
      tpu.wait_dma2 semaphore(%run_scoped3A : memref<!tpu.dma_semaphore, #tpu.memory_space<semaphore_mem>>) src(%arg9 : memref<3200xf32, #tpu.memory_space<vmem>>) dst(%dma_wait3A_136 : memref<3200xf32, #tpu.memory_space<hbm>>)
      tpu.yield
    }) : () -> ()
    %mul3A_122 = arith.constant 6272 : i32
    %mul3A_123 = arith.muli %arg1, %mul3A_122 : i32
    %add3A_124 = arith.constant 3200 : i32
    %add3A_125 = arith.addi %mul3A_123, %add3A_124 : i32
    "tpu.region"() ({
      %run_scoped3A = tpu.sem_alloc : memref<!tpu.dma_semaphore, #tpu.memory_space<semaphore_mem>>
      %dma_start3A_133 = arith.constant 0 : i32
      %dma_start3A_134 = tpu.memref_slice %arg9[%dma_start3A_133] : memref<3200xf32, #tpu.memory_space<vmem>> -> memref<3072xf32, #tpu.memory_space<vmem>>
      %dma_start3A_135 = tpu.memref_slice %arg16[%add3A_125] : memref<100352xf32, #tpu.memory_space<vmem_shared>> -> memref<3072xf32, #tpu.memory_space<vmem_shared>>
      %dma_start3A_136 = arith.constant 0 : i32
      %dma_start3A_137 = tpu.memref_slice %arg9[%dma_start3A_136] : memref<3200xf32, #tpu.memory_space<vmem>> -> memref<3072xf32, #tpu.memory_space<vmem>>
      %dma_start3A_138 = tpu.memref_slice %arg16[%add3A_125] : memref<100352xf32, #tpu.memory_space<vmem_shared>> -> memref<3072xf32, #tpu.memory_space<vmem_shared>>
      tpu.enqueue_dma source(%dma_start3A_138 : memref<3072xf32, #tpu.memory_space<vmem_shared>>) target(%dma_start3A_137 : memref<3072xf32, #tpu.memory_space<vmem>>) target_semaphore(%run_scoped3A : memref<!tpu.dma_semaphore, #tpu.memory_space<semaphore_mem>>)
      %dma_wait3A_139 = arith.constant 0 : i32
      %dma_wait3A_140 = tpu.memref_slice %arg9[%dma_wait3A_139] : memref<3200xf32, #tpu.memory_space<vmem>> -> memref<3072xf32, #tpu.memory_space<vmem>>
      %dma_wait3A_141 = tpu.memref_slice %arg16[%add3A_125] : memref<100352xf32, #tpu.memory_space<vmem_shared>> -> memref<3072xf32, #tpu.memory_space<vmem_shared>>
      %dma_wait3A_142 = arith.constant 0 : i32
      %dma_wait3A_143 = tpu.memref_slice %arg9[%dma_wait3A_142] : memref<3200xf32, #tpu.memory_space<vmem>> -> memref<3072xf32, #tpu.memory_space<vmem>>
      %dma_wait3A_144 = tpu.memref_slice %arg16[%add3A_125] : memref<100352xf32, #tpu.memory_space<vmem_shared>> -> memref<3072xf32, #tpu.memory_space<vmem_shared>>
      tpu.wait_dma2 semaphore(%run_scoped3A : memref<!tpu.dma_semaphore, #tpu.memory_space<semaphore_mem>>) src(%dma_wait3A_144 : memref<3072xf32, #tpu.memory_space<vmem_shared>>) dst(%dma_wait3A_143 : memref<3072xf32, #tpu.memory_space<vmem>>)
      tpu.yield
    }) : () -> ()
    %mul3A_126 = arith.constant 100352 : i32
    %mul3A_127 = arith.muli %arg0, %mul3A_126 : i32
    %mul3A_128 = arith.constant 6272 : i32
    %mul3A_129 = arith.muli %arg1, %mul3A_128 : i32
    %add3A_130 = arith.addi %mul3A_127, %mul3A_129 : i32
    %add3A_131 = arith.constant 3200 : i32
    %add3A_132 = arith.addi %add3A_130, %add3A_131 : i32
    "tpu.region"() ({
      %run_scoped3A = tpu.sem_alloc : memref<!tpu.dma_semaphore, #tpu.memory_space<semaphore_mem>>
      %dma_start3A_133 = arith.constant 0 : i32
      %dma_start3A_134 = tpu.memref_slice %arg9[%dma_start3A_133] : memref<3200xf32, #tpu.memory_space<vmem>> -> memref<3072xf32, #tpu.memory_space<vmem>>
      %dma_start3A_135 = tpu.memref_slice %arg5[%add3A_132] : memref<200704xf32, #tpu.memory_space<hbm>> -> memref<3072xf32, #tpu.memory_space<hbm>>
      %dma_start3A_136 = tpu.memref_slice %arg5[%add3A_132] : memref<200704xf32, #tpu.memory_space<hbm>> -> memref<3072xf32, #tpu.memory_space<hbm>>
      %dma_start3A_137 = arith.constant 0 : i32
      %dma_start3A_138 = tpu.memref_slice %arg9[%dma_start3A_137] : memref<3200xf32, #tpu.memory_space<vmem>> -> memref<3072xf32, #tpu.memory_space<vmem>>
      tpu.enqueue_dma source(%dma_start3A_138 : memref<3072xf32, #tpu.memory_space<vmem>>) target(%dma_start3A_136 : memref<3072xf32, #tpu.memory_space<hbm>>) target_semaphore(%run_scoped3A : memref<!tpu.dma_semaphore, #tpu.memory_space<semaphore_mem>>)
      %dma_wait3A_139 = arith.constant 0 : i32
      %dma_wait3A_140 = tpu.memref_slice %arg9[%dma_wait3A_139] : memref<3200xf32, #tpu.memory_space<vmem>> -> memref<3072xf32, #tpu.memory_space<vmem>>
      %dma_wait3A_141 = tpu.memref_slice %arg5[%add3A_132] : memref<200704xf32, #tpu.memory_space<hbm>> -> memref<3072xf32, #tpu.memory_space<hbm>>
      %dma_wait3A_142 = tpu.memref_slice %arg5[%add3A_132] : memref<200704xf32, #tpu.memory_space<hbm>> -> memref<3072xf32, #tpu.memory_space<hbm>>
      %dma_wait3A_143 = arith.constant 0 : i32
      %dma_wait3A_144 = tpu.memref_slice %arg9[%dma_wait3A_143] : memref<3200xf32, #tpu.memory_space<vmem>> -> memref<3072xf32, #tpu.memory_space<vmem>>
      tpu.wait_dma2 semaphore(%run_scoped3A : memref<!tpu.dma_semaphore, #tpu.memory_space<semaphore_mem>>) src(%dma_wait3A_144 : memref<3072xf32, #tpu.memory_space<vmem>>) dst(%dma_wait3A_142 : memref<3072xf32, #tpu.memory_space<hbm>>)
      tpu.yield
    }) : () -> ()
    return
  }
}

module attributes {stable_mosaic.version = 14 : i64} {
  func.func @_tc_combine_kernel(%arg0: memref<2x784x128xf32, #tpu.memory_space<vmem>>, %arg1: memref<784x128xf32, #tpu.memory_space<vmem>>, %arg2: memref<784x128xf32, #tpu.memory_space<vmem>>, %arg3: memref<784x128xf32, #tpu.memory_space<vmem>>, %arg4: memref<784x128xf32, #tpu.memory_space<vmem>>, %arg5: memref<1x1xf32, #tpu.memory_space<vmem>>) attributes {dimension_semantics = [], scalar_prefetch = 0 : i64, scratch_operands = 0 : i64, tpu.core_type = #tpu.core_type<tc>} {
    %get3A = arith.constant 0 : index
    %get3A_0 = arith.constant 0 : index
    %get3A_1 = vector.load %arg1[%get3A, %get3A_0] : memref<784x128xf32, #tpu.memory_space<vmem>>, vector<784x128xf32>
    %get3A_2 = arith.constant 0 : index
    %get3A_3 = arith.constant 0 : index
    %get3A_4 = arith.constant 0 : index
    %get3A_5 = vector.load %arg0[%get3A_2, %get3A_3, %get3A_4] : memref<2x784x128xf32, #tpu.memory_space<vmem>>, vector<1x784x128xf32>
    %get3A_6 = vector.shape_cast %get3A_5 : vector<1x784x128xf32> to vector<784x128xf32>
    %add3A = arith.addf %get3A_1, %get3A_6 : vector<784x128xf32>
    %get3A_7 = arith.constant 1 : index
    %get3A_8 = arith.constant 0 : index
    %get3A_9 = arith.constant 0 : index
    %get3A_10 = vector.load %arg0[%get3A_7, %get3A_8, %get3A_9] : memref<2x784x128xf32, #tpu.memory_space<vmem>>, vector<1x784x128xf32>
    %get3A_11 = vector.shape_cast %get3A_10 : vector<1x784x128xf32> to vector<784x128xf32>
    %add3A_12 = arith.addf %add3A, %get3A_11 : vector<784x128xf32>
    %swap3A = arith.constant 0 : index
    %swap3A_13 = arith.constant 0 : index
    %swap3A_14 = vector.load %arg4[%swap3A, %swap3A_13] : memref<784x128xf32, #tpu.memory_space<vmem>>, vector<784x128xf32>
    tpu.vector_store %arg4[%swap3A, %swap3A_13], %add3A_12 {strides = array<i32>} : memref<784x128xf32, #tpu.memory_space<vmem>>, vector<784x128xf32>,
    %get3A_15 = arith.constant 0 : index
    %get3A_16 = arith.constant 0 : index
    %get3A_17 = vector.load %arg2[%get3A_15, %get3A_16] : memref<784x128xf32, #tpu.memory_space<vmem>>, vector<784x128xf32>
    %mul3A = arith.mulf %get3A_17, %add3A_12 : vector<784x128xf32>
    %reduce_sum3A = vector.shape_cast %mul3A : vector<784x128xf32> to vector<1x784x128xf32>
    %reduce_sum3A_18 = arith.constant dense<0.000000e+00> : vector<1xf32>
    %reduce_sum3A_19 = vector.multi_reduction <add>, %reduce_sum3A, %reduce_sum3A_18 [1, 2] : vector<1x784x128xf32> to vector<1xf32>
    %reduce_sum3A_20 = vector.shape_cast %reduce_sum3A_19 : vector<1xf32> to vector<1x1x1xf32>
    %reduce_sum3A_21 = vector.extract %reduce_sum3A_20[0, 0, 0] : f32 from vector<1x1x1xf32>
    %get3A_22 = arith.constant 0 : index
    %get3A_23 = arith.constant 0 : index
    %get3A_24 = vector.load %arg3[%get3A_22, %get3A_23] : memref<784x128xf32, #tpu.memory_space<vmem>>, vector<784x128xf32>
    %reduce_sum3A_25 = vector.shape_cast %get3A_24 : vector<784x128xf32> to vector<1x784x128xf32>
    %reduce_sum3A_26 = arith.constant dense<0.000000e+00> : vector<1xf32>
    %reduce_sum3A_27 = vector.multi_reduction <add>, %reduce_sum3A_25, %reduce_sum3A_26 [1, 2] : vector<1x784x128xf32> to vector<1xf32>
    %reduce_sum3A_28 = vector.shape_cast %reduce_sum3A_27 : vector<1xf32> to vector<1x1x1xf32>
    %reduce_sum3A_29 = vector.extract %reduce_sum3A_28[0, 0, 0] : f32 from vector<1x1x1xf32>
    %sub3A = arith.subf %reduce_sum3A_21, %reduce_sum3A_29 : f32
    %reshape3A = vector.broadcast %sub3A : f32 to vector<1x1xf32>
    %swap3A_30 = arith.constant 0 : index
    %swap3A_31 = arith.constant 0 : index
    %swap3A_32 = vector.load %arg5[%swap3A_30, %swap3A_31] : memref<1x1xf32, #tpu.memory_space<vmem>>, vector<1x1xf32>
    tpu.vector_store %arg5[%swap3A_30, %swap3A_31], %reshape3A {strides = array<i32>} : memref<1x1xf32, #tpu.memory_space<vmem>>, vector<1x1xf32>,
    return
  }
}

</mosaic_0001>

<sc_bundles>
// kernel: kernel.4.cloned.1.call-start
scs
__scs_entry_jumppad:
0x0: {  	(pc) =	sbr.rel $0x88, $3  }
0x1: {  	(tag) =	ssettag $0x0;
	lr =	simm.s32 $0x1  }
0x2: {  	[smem:$0x3F9C] =	sst lr;
	_ =	strace $0xD0000000  }
0x3: {  	_ = 	snop  }
0x4: {  	_ = 	snop  }
0x5: {  	_ = 	snop  }
0x6: {  	_ = 	snop  }
0x7: {  	_ = 	snop  }
__scs_overlays_trampoline_lowered:
0x8: {  	[smem:$0x3FAB] =	sst s0  }
0x9: {  	[smem:$0x3FAC] =	sst s1  }
0xa: {  	[smem:$0x3FAD] =	sst s2  }
0xb: {  	[smem:$0x3FAE] =	sst s3  }
0xc: {  	[smem:$0x3FAF] =	sst s4  }
0xd: {  	[smem:$0x3FB0] =	sst s5  }
0xe: {  	[smem:$0x3FB1] =	sst s6  }
0xf: {  	[smem:$0x3FB2] =	sst s7  }
0x10: {  	[smem:$0x3FB3] =	sst s8  }
0x11: {  	[smem:$0x3FB4] =	sst s9;
	s0 =	simm.s32 @!p0 $0x0  }
0x12: {  	s1 =	sld [smem:$0x3F9A];
	s0 =	simm.s32 @p0 $0x1  }
0x13: {  	[smem:$0x3FB5] =	sst s0;
	s0 =	simm.s32 @!p1 $0x0  }
0x14: {  	s2 =	sld [smem:$0x3F99];
	s0 =	simm.s32 @p1 $0x1  }
0x15: {  	[smem:$0x3FB6] =	sst s0;
	s0 =	simm.s32 @!p2 $0x0  }
0x16: {  	s3 =	sld [smem:$0x3FDB];
	s0 =	simm.s32 @p2 $0x1  }
0x17: {  	s4 =	simm.s32 $0x1BF5;
	[smem:$0x3FB8] =	sst s0  }
0x18: {  	s0 =	sld [smem:$0x3F9B];
	_ =	swait.ge [sflag:s4], $0x0  }
0x19: {  	s7 =	sld [smem:$0x3F9C]  }
0x1a: {  	s8 =	sadd.s32 $0xFFFFE003, lr  }
0x1b: {  	s9 =	sadd.s32 $0xFFFFFEF7, lr;
	s5 =	simm.s32 $0xFFFFFFFF;
	p2 =	slt.u32 s8, $0xFFFFF086  }
0x1c: {  	p1 =	slt.u32 s9, $0xF7A;
	s5 =	simm.s32 @!p2 $0x0  }
0x1d: {  	s5 =	simm.s32 @p1 $0x1;
	p0 =	seq.s32 s7, s2  }
0x1e: {  	s7 =	smul.u32 @!p0 $0xF7A, s2;
	p2 =	seq.s32 @!p0 s5, $0x0  }
0x1f: {  	s9 =	smul.u32 $0xF7A, s1;
	s8 =	simm.s32 @!p0 $0x1BF5;
	p2 =	por !p2, p0  }
0x20: {  	[sflag:s8] =	ssyncset.s32 @!p0 $0xFFFFF086;
	s6 =	sadd.s32 @!p0 s3, s7;
	s7 =	simm.s32 @!p0 $0x108  }
0x21: {  	s3 =	sadd.s32 s3, s9;
	s6 =	sadd.s32 @!p0 $0x88, s6;
	s7 =	simm.s32 @p2 $0x1082  }
0x22: {  	[simem:s7], [sflag:s8] =	dma.local @!p0 [hbm:s6], $0xF7A  }
0x23: {  	s9 =	sor.u32 $0xD0000000, s2;
	s6 =	simm.s32 $0x108;
	_ =	swait.ge @!p0 [sflag:s8], $0x0  }
0x24: {  	s3 =	sadd.s32 $0x88, s3;
	s6 =	simm.s32 @!p1 $0x1082;
	[sflag:s4] =	ssyncset.s32 $0xFFFFF086  }
0x25: {  	[simem:s6], [sflag:s4] =	dma.local [hbm:s3], $0xF7A  }
0x26: {  	[smem:$0x3F9C] =	sst s1;
	(tag) =	ssettag s2;
	_ =	strace s9  }
0x27: {  	s1 =	sld [smem:$0x3FAC]  }
0x28: {  	s2 =	sld [smem:$0x3FAD]  }
0x29: {  	s4 =	sld [smem:$0x3FAF]  }
0x2a: {  	p0 =	seq.s32 s5, $0x0;
	s5 =	sld [smem:$0x3FB0]  }
0x2b: {  	s6 =	sld [smem:$0x3FB1]  }
0x2c: {  	s7 =	sld [smem:$0x3FB2]  }
0x2d: {  	s3 =	simm.s32 $0x108;
	s8 =	sld [smem:$0x3FB3]  }
0x2e: {  	s3 =	simm.s32 @!p0 $0x1082;
	s9 =	sld [smem:$0x3FB4]  }
0x2f: {  	lr =	sadd.s32 s0, s3;
	s0 =	sld [smem:$0x3FAB]  }
0x30: {  	s3 =	sld [smem:$0x3FAE]  }
0x31: {  	[smem:$0x3FB7] =	sst s10  }
0x32: {  	s10 =	sld [smem:$0x3FB5];
	_ =	sdelay $0x3  }
0x33: {  	p0 =	seq.s32 s10, $0x1;
	s10 =	sld [smem:$0x3FB7];
	_ =	sdelay $0x3  }
0x34: {  	[smem:$0x3FB7] =	sst s10  }
0x35: {  	s10 =	sld [smem:$0x3FB6];
	_ =	sdelay $0x3  }
0x36: {  	p1 =	seq.s32 s10, $0x1;
	s10 =	sld [smem:$0x3FB7];
	_ =	sdelay $0x3  }
0x37: {  	[smem:$0x3FB7] =	sst s10  }
0x38: {  	s10 =	sld [smem:$0x3FB8]  }
0x39: {  	_ = 	snop;
	(pc) =	sbr.ind lr, $3  }
0x3a: {  	_ = 	snop  }
0x3b: {  	_ = 	snop  }
0x3c: {  	p2 =	seq.s32 s10, $0x1;
	s10 =	sld [smem:$0x3FB7]  }
0x3d: {  	_ =	shalt  }
0x3e: {  	_ =	shalt  }
0x3f: {  	_ =	shalt  }
0x40: {  	_ =	shalt  }
0x41: {  	_ =	shalt  }
0x42: {  	_ =	shalt  }
0x43: {  	_ =	shalt  }
0x44: {  	_ =	shalt  }
0x45: {  	_ =	shalt  }
0x46: {  	_ =	shalt  }
0x47: {  	_ =	shalt  }
0x48: {  	_ =	shalt  }
0x49: {  	_ =	shalt  }
0x4a: {  	_ =	shalt  }
0x4b: {  	_ =	shalt  }
0x4c: {  	_ =	shalt  }
0x4d: {  	_ =	shalt  }
0x4e: {  	_ =	shalt  }
0x4f: {  	_ =	shalt  }
0x50: {  	_ =	shalt  }
0x51: {  	_ =	shalt  }
0x52: {  	_ =	shalt  }
0x53: {  	_ =	shalt  }
0x54: {  	_ =	shalt  }
0x55: {  	_ =	shalt  }
0x56: {  	_ =	shalt  }
0x57: {  	_ =	shalt  }
0x58: {  	_ =	shalt  }
0x59: {  	_ =	shalt  }
0x5a: {  	_ =	shalt  }
0x5b: {  	_ =	shalt  }
0x5c: {  	_ =	shalt  }
0x5d: {  	_ =	shalt  }
0x5e: {  	_ =	shalt  }
0x5f: {  	_ =	shalt  }
0x60: {  	_ =	shalt  }
0x61: {  	_ =	shalt  }
0x62: {  	_ =	shalt  }
0x63: {  	_ =	shalt  }
0x64: {  	_ =	shalt  }
0x65: {  	_ =	shalt  }
0x66: {  	_ =	shalt  }
0x67: {  	_ =	shalt  }
0x68: {  	_ =	shalt  }
0x69: {  	_ =	shalt  }
0x6a: {  	_ =	shalt  }
0x6b: {  	_ =	shalt  }
0x6c: {  	_ =	shalt  }
0x6d: {  	_ =	shalt  }
0x6e: {  	_ =	shalt  }
0x6f: {  	_ =	shalt  }
0x70: {  	_ =	shalt  }
0x71: {  	_ =	shalt  }
0x72: {  	_ =	shalt  }
0x73: {  	_ =	shalt  }
0x74: {  	_ =	shalt  }
0x75: {  	_ =	shalt  }
0x76: {  	_ =	shalt  }
0x77: {  	_ =	shalt  }
0x78: {  	_ =	shalt  }
0x79: {  	_ =	shalt  }
0x7a: {  	_ =	shalt  }
0x7b: {  	_ =	shalt  }
0x7c: {  	_ =	shalt  }
0x7d: {  	_ =	shalt  }
0x7e: {  	_ =	shalt  }
0x7f: {  	_ =	shalt  }
0x80: {  	_ =	shalt  }
0x81: {  	_ =	shalt  }
0x82: {  	_ =	shalt  }
0x83: {  	_ =	shalt  }
0x84: {  	_ =	shalt  }
0x85: {  	_ =	shalt  }
0x86: {  	_ =	shalt  }
0x87: {  	_ =	shalt  }
.Lfunc_end0:
.L_simem_size_0:
called_computation.1_lowered:
.L_overlay_start_0:
0x88: {  	s2 =	sld [smem:$0x3FD9]  }
0x89: {  	s3 =	sld [smem:$0x3FFE];
	_ =	sdelay $0x1  }
0x8a: {  	s1 =	srdreg.scid  }
0x8b: {  	s0 =	sand.u32 $0x1, s1  }
0x8c: {  	s17 =	sshll.u32 s0, $0xA;
	s2 =	sadd.s32 s3, s2  }
0x8d: {  	s2 =	sadd.s32 s2, s17  }
0x8e: {  	[smem:$0x3FC3] =	sst s2  }
0x8f: {  	_ = 	snop  }
0x90: {  	s2 =	sld [smem:$0x3FC8]  }
0x91: {  	s18 =	sld [smem:$0x3FC6];
	(tm) =	ssettm $0x1  }
0x92: {  	s4 =	sld [smem:$0x3FFB];
	_ =	sdelay $0x3  }
0x93: {  	_ =	strace s4  }
0x94: {  	s4 =	sld [smem:$0x3FFC];
	_ =	sdelay $0x3  }
0x95: {  	_ =	strace s4  }
0x96: {  	s4 =	sld [smem:$0x3FFD];
	_ =	sdelay $0x3  }
0x97: {  	_ =	strace s4  }
0x98: {  	_ =	strace $0x8FFFFFFF  }
0x99: {  	s19 =	sld [smem:$0x3FDB];
	_ =	sdelay $0x1  }
0x9a: {  	s5 =	simm.s32 $_scs_section_size  }
0x9b: {  	s6 =	simm.s32 $_size__tile_overlayer_lowered;
	s7 =	simm.s32 $_tile_overlayer_lowered  }
0x9c: {  	s22 =	simm.s32 $0x1BFF;
	s21 =	sshll.u32 s7, $0x1;
	s4 =	sadd.s32 s5, s19  }
0x9d: {  	s8 =	simm.s32 $0x0;
	s20 =	sshll.u32 s6, $0x1;
	s6 =	sadd.s32 s21, s4  }
0x9e: {  	[timem:s8], [sflag:s22] =	dma.local [hbm:s6], s20  }
0x9f: {  	_ =	swait.ge [sflag:s22], s20  }
0xa0: {  	s5 =	ssub.s32 $0x0, s20;
	[sflag:s22] =	ssyncset.done $0x0  }
0xa1: {  	[sflag:s22] =	ssyncadd.s32 s5;
	_ =	sdelay $0x1  }
0xa2: {  	s23 =	simm.s32 $0x1B8B  }
0xa3: {  	_ =	swait.ge [sflag:s23], $0x1  }
0xa4: {  	[sflag:s23] =	ssyncset.done $0x0  }
0xa5: {  	s25 =	simm.s32 $0x1B8E;
	s24 =	sld [smem:$0x3FFE];
	[sflag:s23] =	ssyncadd.s32 $0xFFFFFFFF  }
0xa6: {  	s26 =	simm.s32 $execute0_lowered;
	[smem:$0x3FD2] =	sst s25  }
0xa7: {  	s6 =	sshll.u32 s26, $0x1;
	_ =	strace $0x80000049;
	[dreg:$0x1] =	wrdreg $0xFFFFFFFF  }
0xa8: {  	s28 =	simm.s32 $_size_execute0_lowered;
	s4 =	sadd.s32 s4, s6;
	[dreg:$0x0] =	wrdreg $0x0  }
0xa9: {  	s6 =	sshll.u32 s28, $0x1;
	[dreg:$0x2] =	wrdreg s4  }
0xaa: {  	[dreg:$0x3] =	wrdreg s6  }
0xab: {  	[dreg:$0x4] =	wrdreg $0xC0  }
0xac: {  	_ =	task [dreg:s8], $0x5FFFF  }
0xad: {  	[dreg:$0x1] =	wrdreg $0xFFFFFFFF  }
0xae: {  	[dreg:$0x0] =	wrdreg $0x60  }
0xaf: {  	[dreg:$0x2] =	wrdreg s24  }
0xb0: {  	[dreg:$0x3] =	wrdreg s2  }
0xb1: {  	[dreg:$0x4] =	wrdreg s18  }
0xb2: {  	[dreg:$0x5] =	wrdreg $0x1E5800  }
0xb3: {  	[dreg:$0x6] =	wrdreg $0x9  }
0xb4: {  	_ =	task.clear_ibuf [dreg:s8], $0x7FFFF;
	_ =	strace $0x90000049  }
0xb5: {  	s29 =	simm.s32 $0x9;
	_ =	strace $0x8000004B  }
0xb6: {  	_ =	swait.ge [sflag:s29], $0x1  }
0xb7: {  	[sflag:s29] =	ssyncadd.s32 $0xFFFFFFFF  }
0xb8: {  	_ =	strace $0x9000004B  }
0xb9: {  	_ =	sfence  }
0xba: {  	s30 =	sld [smem:$0x0];
	_ =	sdelay $0x2  }
0xbb: {  	s31 =	sshll.u32 s1, $0xD;
	s1 =	sshrl.u32 s1, $0x2  }
0xbc: {  	s3 =	sand.u32 $0x4000, s31;
	s1 =	sadd.s32 s1, s30  }
0xbd: {  	s0 =	sor.u32 s3, s0;
	s1 =	sshll.u32 s1, $0x11  }
0xbe: {  	s0 =	sor.u32 s1, s0  }
0xbf: {  	s0 =	sadd.s32 $0x8F2B, s0  }
0xc0: {  	[sflag:s0] =	ssyncadd.remote.s32 $0x1  }
0xc1: {  	_ =	sfence.sel $0xFFFF  }
0xc2: {  	[dreg:$0x0] =	wrdreg $0xFFFFFFFF;
	(pc) =	sbr.abs _section_cstart, $3  }
0xc3: {  	[dreg:$0x1] =	wrdreg $0xFFFFFFFF  }
0xc4: {  	_ =	task.clear_ibuf [dreg:s8], $0x2FFFF;
	_ =	strace $0x9FFFFFFF  }
0xc5: {  	(tm) =	ssettm $0x7FFFFFFF  }
tec
execute0_lowered:
.L_overlay_start_1:
0x0: {  	(tag) =	ssettag $0x1  }
0x1: {  	s0 =	rddreg [dreg:$0x0]  }
0x2: {  	s1 =	rddreg [dreg:$0x1]  }
0x3: {  	s2 =	srdreg.scid;
	s8 =	stileid.u32  }
0x4: {  	s4 =	rddreg [dreg:$0x3];
	s5 =	simm.s32 $0x0;
	s28 =	simm.s32 $0x1ACC0  }
0x5: {  	s29 =	simm.s32 $0x1B300;
	s30 =	simm.s32 $0x1;
	s31 =	simm.s32 $0xC80  }
0x6: {  	s11 =	simm.s32 $0x1B980;
	s15 =	simm.s32 $0x4;
	s16 =	simm.s32 $0x3  }
0x7: {  	s17 =	simm.s32 $0x1D900;
	s2 =	sand.u32 $0x1, s2;
	s3 =	smul.u32 $0x1880, s8  }
0x8: {  	[smem:$0x7FF] =	sst s5;
	s6 =	smul.u32 $0x18800, s2;
	s7 =	sshll.u32 s2, $0x4  }
0x9: {  	_ =	strace $0x8000004A;
	s2 =	ssub.s32 $0x2, s2;
	s7 =	sor.u32 s8, s7  }
0xa: {  	s19 =	sshrl.u32 s2, $0x1;
	s9 =	sadd.s32 s3, s4;
	s8 =	simm.s32 $0x0  }
0xb: {  	s6 =	sadd.s32 s3, s6;
	s7 =	smul.u32 $0x30D40, s7;
	s2 =	ssub.s32 s2, s19  }
0xc: {  	[dreg:$0x5] =	wrdreg s9;
	s18 =	sshrl.u32 s6, $0x3;
	s6 =	sadd.s32 $0x1400, s0  }
0xd: {  	s26 =	smax.u32 s2, $0x1;
	s2 =	simm.s32 $0x1C600;
	s0 =	sadd.s32 s18, s0  }
0xe: {  	s20 =	sshrl.u32 s7, $0x3;
	s18 =	sadd.s32 $0xC80, s9;
	[dreg:$0xf] =	wrdreg s26  }
0xf: {  	s12 =	sadd.s32 $0x640, s7;
	s22 =	sadd.s32 s1, s20;
	[dreg:$0x6] =	wrdreg s18  }
0x10: {  	s13 =	sadd.s32 $0xC80, s7;
	s21 =	sadd.s32 s6, s20;
	[dreg:$0x9] =	wrdreg s22  }
0x11: {  	s14 =	sadd.s32 $0x12C0, s7;
	s25 =	sadd.s32 $0x187E00, s0;
	[dreg:$0x7] =	wrdreg s21  }
0x12: {  	s26 =	simm.s32 $0x1A680;
	s0 =	sadd.s32 $0x187F90, s0;
	[dreg:$0xd] =	wrdreg s25  }
0x13: {  	s3 =	sadd.s32 $0x60E0, s20;
	s10 =	sadd.s32 $0xC3500, s21;
	[dreg:$0xe] =	wrdreg s0  }
0x14: {  	s23 =	sadd.s32 s6, s3;
	s24 =	sadd.s32 $0xC95E0, s21;
	[dreg:$0x8] =	wrdreg s10  }
0x15: {  	s3 =	sadd.s32 s1, s3;
	s21 =	simm.s32 $0x7;
	[dreg:$0xa] =	wrdreg s23  }
0x16: {  	s22 =	simm.s32 $0x19A00;
	s25 =	simm.s32 $0x19380;
	[dreg:$0xb] =	wrdreg s24  }
0x17: {  	s0 =	simm.s32 $0x1CC40;
	[dreg:$0xc] =	wrdreg s3;
	s23 =	simm.s32 $0x18700  }
0x18: {  	v0 =	vimm.f32 $0.0e+00;
	s24 =	simm.s32 $0x18D40;
	s3 =	simm.s32 $0x1D280;
	s10 =	simm.s32 $0x2  }
.LBB2_1:
0x19: {  	[dreg:$0x10] =	wrdreg s8  }
0x1a: {  	s7 =	rddreg [dreg:$0x2]  }
0x1b: {  	[tilespmem:s5], [sflag:$0x7] =	stream.linear.gather [hbm4b:s7+s5], $0x18700, $0x38;
	[tilespmem:$0x1FE00] =	vst v63  }
0x1c: {  	_ =	swait.ge [sflag:s21], $0x18700  }
0x1d: {  	[sflag:s21] =	ssyncset.done $0x0  }
0x1e: {  	s8 =	simm.s32 $0x0;
	s7 =	simm.s32 $0x40;
	[sflag:s21] =	ssyncadd.s32 $0xFFFE7900  }
.LBB2_2:
0x1f: {  	p0 =	sne.s32 s7, $0x31C0;
	[tilespmem:s8+$0x19A00] =	vst v0;
	s8 =	smov.u32 s7;
	s7 =	sadd.s32 $0x40, s7  }
.Ltmp0:
0x20: {  	(pc) =	sbr.rel @p0 .LBB2_2-.Ltmp0, $2  }
0x21: {  	_ =	sdelay $0x2  }
0x22: {  	s8 =	sshra.s32 s8, $0x2  }
0x23: {  	[tilespmem:s8+$0x19A00] =	vst v0  }
0x24: {  	[spmem:s9] =	stream.linear.scatter [tilespmem:s22], [sflag:$0x7], $0xC80, $0x38;
	[tilespmem:$0x1FE00] =	vst v63  }
0x25: {  	_ =	swait.ge [sflag:s21], $0xC80  }
0x26: {  	[sflag:s21] =	ssyncset.done $0x0  }
0x27: {  	[sflag:s21] =	ssyncadd.s32 $0xFFFFF380  }
0x28: {  	[spmem:s18] =	stream.linear.scatter [tilespmem:s22], [sflag:$0x7], $0xC00, $0x38;
	[tilespmem:$0x1FE00] =	vst v63  }
0x29: {  	_ =	swait.ge [sflag:s21], $0xC00  }
0x2a: {  	[sflag:s21] =	ssyncset.done $0x0  }
0x2b: {  	[sflag:s21] =	ssyncadd.s32 $0xFFFFF400  }
0x2c: {  	[bflag:$0x0] =	sbarrier.arrive $0xFFFF  }
0x2d: {  	s9 =	simm.s32 $0x0;
	s7 =	rddreg [dreg:$0x7]  }
0x2e: {  	[tilespmem:s23], [sflag:$0x1] =	stream.linear.gather [hbm4b:s7+s9], $0x640, $0x38;
	[tilespmem:$0x1FE00] =	vst v63  }
0x2f: {  	s19 =	rddreg [dreg:$0x8]  }
0x30: {  	[tilespmem:s24], [sflag:$0x1] =	stream.linear.gather [hbm4b:s19+s9], $0x640, $0x38;
	[tilespmem:$0x1FE00] =	vst v63  }
0x31: {  	s20 =	rddreg [dreg:$0x9];
	s19 =	simm.s32 $0x0  }
0x32: {  	[tilespmem:s25], [sflag:$0x1] =	stream.linear.gather [hbm4b:s20+s9], $0x640, $0x38;
	[tilespmem:$0x1FE00] =	vst v63  }
.LBB2_4:
0x33: {  	p0 =	seq.s32 s19, $0x0;
	s8 =	smul.u32 $0x12C0, s19  }
0x34: {  	s7 =	simm.s32 @!p0 $0x5  }
0x35: {  	_ =	swait.ge @!p0 [sflag:s7], $0xC80;
	s18 =	sadd.s32 s8, s12  }
0x36: {  	[sflag:s7] =	ssyncset.done @!p0 $0x0;
	s18 =	sshrl.u32 s18, $0x3  }
0x37: {  	[sflag:s7] =	ssyncadd.s32 @!p0 $0xFFFFF380;
	s20 =	sadd.s32 s6, s18  }
0x38: {  	[tilespmem:s26], [sflag:$0x2] =	stream.linear.gather [hbm4b:s20+s9], $0x640, $0x38;
	[tilespmem:$0x1FE00] =	vst v63  }
0x39: {  	s7 =	sadd.s32 $0xC3500, s20  }
0x3a: {  	[tilespmem:s28], [sflag:$0x2] =	stream.linear.gather [hbm4b:s7+s9], $0x640, $0x38;
	[tilespmem:$0x1FE00] =	vst v63  }
0x3b: {  	s20 =	sadd.s32 s1, s18  }
0x3c: {  	[tilespmem:s29], [sflag:$0x2] =	stream.linear.gather [hbm4b:s20+s9], $0x640, $0x38;
	[tilespmem:$0x1FE00] =	vst v63  }
0x3d: {  	_ =	swait.ge [sflag:s30], $0x640  }
0x3e: {  	[sflag:s30] =	ssyncset.done $0x0  }
0x3f: {  	[sflag:s30] =	ssyncadd.s32 $0xFFFFF9C0  }
0x40: {  	_ =	swait.ge [sflag:s30], $0x640  }
0x41: {  	[sflag:s30] =	ssyncset.done $0x0  }
0x42: {  	[sflag:s30] =	ssyncadd.s32 $0xFFFFF9C0  }
0x43: {  	_ =	swait.ge [sflag:s30], $0x640  }
0x44: {  	[sflag:s30] =	ssyncset.done $0x0  }
0x45: {  	s7 =	simm.s32 $0x0;
	[sflag:s30] =	ssyncadd.s32 $0xFFFFF9C0  }
0x46: {  	v1 =	vld [tilespmem:s7+$0x18D40]  }
0x47: {  	v2 =	vld [tilespmem:s7+$0x18700];
	_ =	sdelay $0x6  }
0x48: {  	v3 =	vld.idx.msk [tilespmem:v1+s5+$0x0], $0xffff  }
0x49: {  	v4 =	vld.idx.msk [tilespmem:v2+s5+$0x0], $0xffff  }
0x4a: {  	v2 =	vld [tilespmem:s7+$0x19380];
	_ =	sdelay $0x2  }
0x4b: {  	s18 =	simm.s32 $0x10  }
0x4c: {  	s20 =	simm.s32 $0x80;
	v1 =	vld [tilespmem:s18+$0x18D40];
	v3 =	vsub.f32 v4, v3  }
.LBB2_5:
0x4d: {  	p1 =	sne.s32 s20, $0x18C0;
	v4 =	vld [tilespmem:s18+$0x18700];
	v2 =	vmul.f32 $9.999999770e-03, v2  }
0x4e: {  	v3 =	vand.u32 $0x7FFFFFFF, v3  }
0x4f: {  	v2 =	vmul.f32 v3, v2;
	_ =	sdelay $0x1  }
0x50: {  	[tilespmem:s7+$0x1A040] =	vst v2;
	v2 =	vsub.f32 $0.0e+00, v2;
	_ =	sdelay $0x1  }
0x51: {  	[tilespmem:s7+$0x19A00] =	vst v2;
	s7 =	smov.u32 s18  }
0x52: {  	v3 =	vld.idx.msk [tilespmem:v1+s5+$0x0], $0xffff  }
0x53: {  	v4 =	vld.idx.msk [tilespmem:v4+s5+$0x0], $0xffff;
	_ =	sdelay $0x1  }
.Ltmp1:
0x54: {  	v2 =	vld [tilespmem:s7+$0x19380];
	(pc) =	sbr.rel @p1 .LBB2_5-.Ltmp1, $3  }
0x55: {  	_ =	sdelay $0x1  }
0x56: {  	s18 =	sshra.s32 s20, $0x2  }
0x57: {  	s20 =	sadd.s32 $0x40, s20;
	v3 =	vsub.f32 v4, v3;
	v1 =	vld [tilespmem:s18+$0x18D40]  }
0x58: {  	_ = 	snop  }
0x59: {  	v4 =	vld [tilespmem:s18+$0x18700];
	v2 =	vmul.f32 $9.999999770e-03, v2  }
0x5a: {  	v3 =	vand.u32 $0x7FFFFFFF, v3  }
0x5b: {  	v2 =	vmul.f32 v3, v2;
	_ =	sdelay $0x1  }
0x5c: {  	v3 =	vsub.f32 $0.0e+00, v2  }
0x5d: {  	[tilespmem:s7+$0x1A040] =	vst v2  }
0x5e: {  	[tilespmem:s7+$0x19A00] =	vst v3  }
0x5f: {  	v1 =	vld.idx.msk [tilespmem:v1+s5+$0x0], $0xffff  }
0x60: {  	v2 =	vld.idx.msk [tilespmem:v4+s5+$0x0], $0xffff  }
0x61: {  	v3 =	vld [tilespmem:s18+$0x19380];
	_ =	sdelay $0x3  }
0x62: {  	v1 =	vsub.f32 v2, v1  }
0x63: {  	v2 =	vmul.f32 $9.999999770e-03, v3  }
0x64: {  	v1 =	vand.u32 $0x7FFFFFFF, v1  }
0x65: {  	v1 =	vmul.f32 v1, v2;
	_ =	sdelay $0x1  }
0x66: {  	v2 =	vsub.f32 $0.0e+00, v1  }
0x67: {  	[tilespmem:s18+$0x1A040] =	vst v1  }
0x68: {  	s7 =	simm.s32 @!p0 $0x6;
	[tilespmem:s18+$0x19A00] =	vst v2  }
0x69: {  	[spmem:s4] =	stream.indirect.scatter.add.f32 [tilespmem:s22], [sflag:$0x4], $0x1, s23, s31, $0xb8;
	[tilespmem:$0x1FE00] =	vst v63  }
0x6a: {  	s20 =	sadd.s32 s8, s13;
	_ =	swait.ge @!p0 [sflag:s7], $0xC80  }
0x6b: {  	s18 =	sshrl.u32 s20, $0x3;
	[sflag:s7] =	ssyncset.done @!p0 $0x0  }
0x6c: {  	s20 =	simm.s32 $0x0;
	[sflag:s7] =	ssyncadd.s32 @!p0 $0xFFFFF380;
	s7 =	sadd.s32 s6, s18  }
0x6d: {  	[tilespmem:s2], [sflag:$0x3] =	stream.linear.gather [hbm4b:s7+s20], $0x640, $0x38;
	[tilespmem:$0x1FE00] =	vst v63  }
0x6e: {  	s7 =	sadd.s32 $0xC3500, s7  }
0x6f: {  	[tilespmem:s0], [sflag:$0x3] =	stream.linear.gather [hbm4b:s7+s20], $0x640, $0x38;
	[tilespmem:$0x1FE00] =	vst v63  }
0x70: {  	s18 =	sadd.s32 s1, s18  }
0x71: {  	[tilespmem:s3], [sflag:$0x3] =	stream.linear.gather [hbm4b:s18+s20], $0x640, $0x38;
	[tilespmem:$0x1FE00] =	vst v63  }
0x72: {  	_ =	swait.ge [sflag:s10], $0x640  }
0x73: {  	[sflag:s10] =	ssyncset.done $0x0  }
0x74: {  	[sflag:s10] =	ssyncadd.s32 $0xFFFFF9C0  }
0x75: {  	_ =	swait.ge [sflag:s10], $0x640  }
0x76: {  	[sflag:s10] =	ssyncset.done $0x0  }
0x77: {  	[sflag:s10] =	ssyncadd.s32 $0xFFFFF9C0  }
0x78: {  	_ =	swait.ge [sflag:s10], $0x640  }
0x79: {  	[sflag:s10] =	ssyncset.done $0x0  }
0x7a: {  	s7 =	simm.s32 $0x0;
	[sflag:s10] =	ssyncadd.s32 $0xFFFFF9C0  }
0x7b: {  	v1 =	vld [tilespmem:s7+$0x1ACC0]  }
0x7c: {  	v2 =	vld [tilespmem:s7+$0x1A680];
	_ =	sdelay $0x6  }
0x7d: {  	v3 =	vld.idx.msk [tilespmem:v1+s5+$0x0], $0xffff  }
0x7e: {  	v4 =	vld.idx.msk [tilespmem:v2+s5+$0x0], $0xffff  }
0x7f: {  	v2 =	vld [tilespmem:s7+$0x1B300];
	_ =	sdelay $0x2  }
0x80: {  	s18 =	simm.s32 $0x10  }
0x81: {  	s20 =	simm.s32 $0x80;
	v1 =	vld [tilespmem:s18+$0x1ACC0];
	v3 =	vsub.f32 v4, v3  }
.LBB2_7:
0x82: {  	p0 =	sne.s32 s20, $0x18C0;
	v4 =	vld [tilespmem:s18+$0x1A680];
	v2 =	vmul.f32 $9.999999770e-03, v2  }
0x83: {  	v3 =	vand.u32 $0x7FFFFFFF, v3  }
0x84: {  	v2 =	vmul.f32 v3, v2;
	_ =	sdelay $0x1  }
0x85: {  	[tilespmem:s7+$0x1BFC0] =	vst v2;
	v2 =	vsub.f32 $0.0e+00, v2;
	_ =	sdelay $0x1  }
0x86: {  	[tilespmem:s7+$0x1B980] =	vst v2;
	s7 =	smov.u32 s18  }
0x87: {  	v3 =	vld.idx.msk [tilespmem:v1+s5+$0x0], $0xffff  }
0x88: {  	v4 =	vld.idx.msk [tilespmem:v4+s5+$0x0], $0xffff;
	_ =	sdelay $0x1  }
.Ltmp2:
0x89: {  	v2 =	vld [tilespmem:s7+$0x1B300];
	(pc) =	sbr.rel @p0 .LBB2_7-.Ltmp2, $3  }
0x8a: {  	_ =	sdelay $0x1  }
0x8b: {  	s18 =	sshra.s32 s20, $0x2  }
0x8c: {  	s20 =	sadd.s32 $0x40, s20;
	v3 =	vsub.f32 v4, v3;
	v1 =	vld [tilespmem:s18+$0x1ACC0]  }
0x8d: {  	_ = 	snop  }
0x8e: {  	v4 =	vld [tilespmem:s18+$0x1A680];
	v2 =	vmul.f32 $9.999999770e-03, v2  }
0x8f: {  	v3 =	vand.u32 $0x7FFFFFFF, v3  }
0x90: {  	v2 =	vmul.f32 v3, v2;
	_ =	sdelay $0x1  }
0x91: {  	v3 =	vsub.f32 $0.0e+00, v2  }
0x92: {  	[tilespmem:s7+$0x1BFC0] =	vst v2  }
0x93: {  	[tilespmem:s7+$0x1B980] =	vst v3  }
0x94: {  	v1 =	vld.idx.msk [tilespmem:v1+s5+$0x0], $0xffff  }
0x95: {  	v2 =	vld.idx.msk [tilespmem:v4+s5+$0x0], $0xffff  }
0x96: {  	v3 =	vld [tilespmem:s18+$0x1B300];
	_ =	sdelay $0x3  }
0x97: {  	v1 =	vsub.f32 v2, v1  }
0x98: {  	v2 =	vmul.f32 $9.999999770e-03, v3  }
0x99: {  	v1 =	vand.u32 $0x7FFFFFFF, v1  }
0x9a: {  	v1 =	vmul.f32 v1, v2;
	_ =	sdelay $0x1  }
0x9b: {  	v2 =	vsub.f32 $0.0e+00, v1  }
0x9c: {  	[tilespmem:s18+$0x1BFC0] =	vst v1  }
0x9d: {  	[tilespmem:s18+$0x1B980] =	vst v2  }
0x9e: {  	[spmem:s4] =	stream.indirect.scatter.add.f32 [tilespmem:s11], [sflag:$0x5], $0x1, s26, s31, $0xb8;
	[tilespmem:$0x1FE00] =	vst v63  }
0x9f: {  	s8 =	sadd.s32 s8, s14;
	_ =	swait.ge [sflag:s15], $0xC80  }
0xa0: {  	s7 =	sshrl.u32 s8, $0x3;
	[sflag:s15] =	ssyncset.done $0x0  }
0xa1: {  	s20 =	simm.s32 $0x0;
	s18 =	sadd.s32 s6, s7;
	[sflag:s15] =	ssyncadd.s32 $0xFFFFF380  }
0xa2: {  	[tilespmem:s23], [sflag:$0x1] =	stream.linear.gather [hbm4b:s18+s20], $0x640, $0x38;
	[tilespmem:$0x1FE00] =	vst v63  }
0xa3: {  	s8 =	sadd.s32 $0xC3500, s18  }
0xa4: {  	[tilespmem:s24], [sflag:$0x1] =	stream.linear.gather [hbm4b:s8+s20], $0x640, $0x38;
	[tilespmem:$0x1FE00] =	vst v63  }
0xa5: {  	s7 =	sadd.s32 s1, s7  }
0xa6: {  	[tilespmem:s25], [sflag:$0x1] =	stream.linear.gather [hbm4b:s7+s20], $0x640, $0x38;
	[tilespmem:$0x1FE00] =	vst v63  }
0xa7: {  	_ =	swait.ge [sflag:s16], $0x640  }
0xa8: {  	[sflag:s16] =	ssyncset.done $0x0  }
0xa9: {  	[sflag:s16] =	ssyncadd.s32 $0xFFFFF9C0  }
0xaa: {  	_ =	swait.ge [sflag:s16], $0x640  }
0xab: {  	[sflag:s16] =	ssyncset.done $0x0  }
0xac: {  	[sflag:s16] =	ssyncadd.s32 $0xFFFFF9C0  }
0xad: {  	_ =	swait.ge [sflag:s16], $0x640  }
0xae: {  	[sflag:s16] =	ssyncset.done $0x0  }
0xaf: {  	s7 =	simm.s32 $0x0;
	[sflag:s16] =	ssyncadd.s32 $0xFFFFF9C0  }
0xb0: {  	v1 =	vld [tilespmem:s7+$0x1CC40]  }
0xb1: {  	v2 =	vld [tilespmem:s7+$0x1C600];
	_ =	sdelay $0x6  }
0xb2: {  	v3 =	vld.idx.msk [tilespmem:v1+s5+$0x0], $0xffff  }
0xb3: {  	v4 =	vld.idx.msk [tilespmem:v2+s5+$0x0], $0xffff  }
0xb4: {  	v2 =	vld [tilespmem:s7+$0x1D280];
	_ =	sdelay $0x2  }
0xb5: {  	s8 =	simm.s32 $0x10  }
0xb6: {  	s18 =	simm.s32 $0x80;
	v1 =	vld [tilespmem:s8+$0x1CC40];
	v3 =	vsub.f32 v4, v3  }
.LBB2_9:
0xb7: {  	p0 =	sne.s32 s18, $0x18C0;
	v4 =	vld [tilespmem:s8+$0x1C600];
	v2 =	vmul.f32 $9.999999770e-03, v2  }
0xb8: {  	v3 =	vand.u32 $0x7FFFFFFF, v3  }
0xb9: {  	v2 =	vmul.f32 v3, v2;
	_ =	sdelay $0x1  }
0xba: {  	[tilespmem:s7+$0x1DF40] =	vst v2;
	v2 =	vsub.f32 $0.0e+00, v2;
	_ =	sdelay $0x1  }
0xbb: {  	[tilespmem:s7+$0x1D900] =	vst v2;
	s7 =	smov.u32 s8  }
0xbc: {  	v3 =	vld.idx.msk [tilespmem:v1+s5+$0x0], $0xffff  }
0xbd: {  	v4 =	vld.idx.msk [tilespmem:v4+s5+$0x0], $0xffff;
	_ =	sdelay $0x1  }
.Ltmp3:
0xbe: {  	v2 =	vld [tilespmem:s7+$0x1D280];
	(pc) =	sbr.rel @p0 .LBB2_9-.Ltmp3, $3  }
0xbf: {  	_ =	sdelay $0x1  }
0xc0: {  	s8 =	sshra.s32 s18, $0x2  }
0xc1: {  	s18 =	sadd.s32 $0x40, s18;
	v3 =	vsub.f32 v4, v3;
	v1 =	vld [tilespmem:s8+$0x1CC40]  }
0xc2: {  	_ = 	snop  }
0xc3: {  	v4 =	vld [tilespmem:s8+$0x1C600];
	v2 =	vmul.f32 $9.999999770e-03, v2  }
0xc4: {  	v3 =	vand.u32 $0x7FFFFFFF, v3  }
0xc5: {  	v2 =	vmul.f32 v3, v2;
	_ =	sdelay $0x1  }
0xc6: {  	v3 =	vsub.f32 $0.0e+00, v2  }
0xc7: {  	[tilespmem:s7+$0x1DF40] =	vst v2  }
0xc8: {  	[tilespmem:s7+$0x1D900] =	vst v3  }
0xc9: {  	v1 =	vld.idx.msk [tilespmem:v1+s5+$0x0], $0xffff  }
0xca: {  	v2 =	vld.idx.msk [tilespmem:v4+s5+$0x0], $0xffff  }
0xcb: {  	v3 =	vld [tilespmem:s8+$0x1D280];
	_ =	sdelay $0x3  }
0xcc: {  	v1 =	vsub.f32 v2, v1  }
0xcd: {  	v2 =	vmul.f32 $9.999999770e-03, v3  }
0xce: {  	s19 =	sadd.s32 $0x1, s19;
	v1 =	vand.u32 $0x7FFFFFFF, v1  }
0xcf: {  	p0 =	sne.s32 s19, $0x29;
	v1 =	vmul.f32 v1, v2  }
.Ltmp4:
0xd0: {  	_ = 	snop;
	(pc) =	sbr.rel @p0 .LBB2_4-.Ltmp4, $4  }
0xd1: {  	v2 =	vsub.f32 $0.0e+00, v1  }
0xd2: {  	[tilespmem:s8+$0x1DF40] =	vst v1  }
0xd3: {  	[tilespmem:s8+$0x1D900] =	vst v2  }
0xd4: {  	[spmem:s4] =	stream.indirect.scatter.add.f32 [tilespmem:s17], [sflag:$0x6], $0x1, s2, s31, $0xb8;
	[tilespmem:$0x1FE00] =	vst v63  }
0xd5: {  	s19 =	simm.s32 $0x5  }
0xd6: {  	_ =	swait.ge [sflag:s19], $0xC80  }
0xd7: {  	[sflag:s19] =	ssyncset.done $0x0  }
0xd8: {  	s7 =	simm.s32 $0x0;
	s8 =	rddreg [dreg:$0xa];
	[sflag:s19] =	ssyncadd.s32 $0xFFFFF380  }
0xd9: {  	[tilespmem:s26], [sflag:$0x2] =	stream.linear.gather [hbm4b:s8+s7], $0x640, $0x38;
	[tilespmem:$0x1FE00] =	vst v63  }
0xda: {  	s18 =	rddreg [dreg:$0xb]  }
0xdb: {  	[tilespmem:s28], [sflag:$0x2] =	stream.linear.gather [hbm4b:s18+s7], $0x640, $0x38;
	[tilespmem:$0x1FE00] =	vst v63  }
0xdc: {  	s20 =	rddreg [dreg:$0xc]  }
0xdd: {  	[tilespmem:s29], [sflag:$0x2] =	stream.linear.gather [hbm4b:s20+s7], $0x640, $0x38;
	[tilespmem:$0x1FE00] =	vst v63  }
0xde: {  	_ =	swait.ge [sflag:s30], $0x640  }
0xdf: {  	[sflag:s30] =	ssyncset.done $0x0  }
0xe0: {  	[sflag:s30] =	ssyncadd.s32 $0xFFFFF9C0  }
0xe1: {  	_ =	swait.ge [sflag:s30], $0x640  }
0xe2: {  	[sflag:s30] =	ssyncset.done $0x0  }
0xe3: {  	[sflag:s30] =	ssyncadd.s32 $0xFFFFF9C0  }
0xe4: {  	_ =	swait.ge [sflag:s30], $0x640  }
0xe5: {  	[sflag:s30] =	ssyncset.done $0x0  }
0xe6: {  	s7 =	simm.s32 $0x0;
	[sflag:s30] =	ssyncadd.s32 $0xFFFFF9C0  }
0xe7: {  	v1 =	vld [tilespmem:s7+$0x18D40]  }
0xe8: {  	v2 =	vld [tilespmem:s7+$0x18700];
	_ =	sdelay $0x6  }
0xe9: {  	v3 =	vld.idx.msk [tilespmem:v1+s5+$0x0], $0xffff  }
0xea: {  	v4 =	vld.idx.msk [tilespmem:v2+s5+$0x0], $0xffff  }
0xeb: {  	v2 =	vld [tilespmem:s7+$0x19380];
	_ =	sdelay $0x2  }
0xec: {  	s8 =	simm.s32 $0x10  }
0xed: {  	s9 =	simm.s32 $0x80;
	v1 =	vld [tilespmem:s8+$0x18D40];
	v3 =	vsub.f32 v4, v3  }
.LBB2_12:
0xee: {  	p0 =	sne.s32 s9, $0x18C0;
	v4 =	vld [tilespmem:s8+$0x18700];
	v2 =	vmul.f32 $9.999999770e-03, v2  }
0xef: {  	v3 =	vand.u32 $0x7FFFFFFF, v3  }
0xf0: {  	v2 =	vmul.f32 v3, v2;
	_ =	sdelay $0x1  }
0xf1: {  	[tilespmem:s7+$0x1A040] =	vst v2;
	v2 =	vsub.f32 $0.0e+00, v2;
	_ =	sdelay $0x1  }
0xf2: {  	[tilespmem:s7+$0x19A00] =	vst v2;
	s7 =	smov.u32 s8  }
0xf3: {  	v3 =	vld.idx.msk [tilespmem:v1+s5+$0x0], $0xffff  }
0xf4: {  	v4 =	vld.idx.msk [tilespmem:v4+s5+$0x0], $0xffff;
	_ =	sdelay $0x1  }
.Ltmp5:
0xf5: {  	v2 =	vld [tilespmem:s7+$0x19380];
	(pc) =	sbr.rel @p0 .LBB2_12-.Ltmp5, $3  }
0xf6: {  	_ =	sdelay $0x1  }
0xf7: {  	s8 =	sshra.s32 s9, $0x2  }
0xf8: {  	s9 =	sadd.s32 $0x40, s9;
	v3 =	vsub.f32 v4, v3;
	v1 =	vld [tilespmem:s8+$0x18D40]  }
0xf9: {  	_ = 	snop  }
0xfa: {  	v4 =	vld [tilespmem:s8+$0x18700];
	v2 =	vmul.f32 $9.999999770e-03, v2  }
0xfb: {  	v3 =	vand.u32 $0x7FFFFFFF, v3  }
0xfc: {  	v2 =	vmul.f32 v3, v2;
	_ =	sdelay $0x1  }
0xfd: {  	v3 =	vsub.f32 $0.0e+00, v2  }
0xfe: {  	[tilespmem:s7+$0x1A040] =	vst v2  }
0xff: {  	[tilespmem:s7+$0x19A00] =	vst v3  }
0x100: {  	v1 =	vld.idx.msk [tilespmem:v1+s5+$0x0], $0xffff  }
0x101: {  	v2 =	vld.idx.msk [tilespmem:v4+s5+$0x0], $0xffff  }
0x102: {  	v3 =	vld [tilespmem:s8+$0x19380];
	_ =	sdelay $0x3  }
0x103: {  	v1 =	vsub.f32 v2, v1  }
0x104: {  	v2 =	vmul.f32 $9.999999770e-03, v3  }
0x105: {  	v1 =	vand.u32 $0x7FFFFFFF, v1  }
0x106: {  	v1 =	vmul.f32 v1, v2;
	_ =	sdelay $0x1  }
0x107: {  	v2 =	vsub.f32 $0.0e+00, v1  }
0x108: {  	[tilespmem:s8+$0x1A040] =	vst v1  }
0x109: {  	s20 =	simm.s32 $0x6;
	[tilespmem:s8+$0x19A00] =	vst v2  }
0x10a: {  	[spmem:s4] =	stream.indirect.scatter.add.f32 [tilespmem:s22], [sflag:$0x4], $0x1, s23, s31, $0xb8;
	[tilespmem:$0x1FE00] =	vst v63  }
0x10b: {  	_ =	swait.ge [sflag:s20], $0xC80  }
0x10c: {  	[sflag:s20] =	ssyncset.done $0x0  }
0x10d: {  	[sflag:s20] =	ssyncadd.s32 $0xFFFFF380  }
0x10e: {  	_ =	swait.ge [sflag:s10], $0x640  }
0x10f: {  	[sflag:s10] =	ssyncset.done $0x0  }
0x110: {  	[sflag:s10] =	ssyncadd.s32 $0xFFFFF9C0  }
0x111: {  	_ =	swait.ge [sflag:s10], $0x640  }
0x112: {  	[sflag:s10] =	ssyncset.done $0x0  }
0x113: {  	[sflag:s10] =	ssyncadd.s32 $0xFFFFF9C0  }
0x114: {  	_ =	swait.ge [sflag:s10], $0x640  }
0x115: {  	[sflag:s10] =	ssyncset.done $0x0  }
0x116: {  	s7 =	simm.s32 $0x0;
	[sflag:s10] =	ssyncadd.s32 $0xFFFFF9C0  }
0x117: {  	v1 =	vld [tilespmem:s7+$0x1ACC0]  }
0x118: {  	v2 =	vld [tilespmem:s7+$0x1A680];
	_ =	sdelay $0x6  }
0x119: {  	v3 =	vld.idx.msk [tilespmem:v1+s5+$0x0], $0xffff  }
0x11a: {  	v4 =	vld.idx.msk [tilespmem:v2+s5+$0x0], $0xffff  }
0x11b: {  	v2 =	vld [tilespmem:s7+$0x1B300];
	_ =	sdelay $0x2  }
0x11c: {  	s8 =	simm.s32 $0x10  }
0x11d: {  	s9 =	simm.s32 $0x80;
	s18 =	rddreg [dreg:$0x6];
	v1 =	vld [tilespmem:s8+$0x1ACC0];
	v3 =	vsub.f32 v4, v3  }
.LBB2_14:
0x11e: {  	p0 =	sne.s32 s9, $0x18C0;
	v4 =	vld [tilespmem:s8+$0x1A680];
	v2 =	vmul.f32 $9.999999770e-03, v2  }
0x11f: {  	v3 =	vand.u32 $0x7FFFFFFF, v3  }
0x120: {  	v2 =	vmul.f32 v3, v2;
	_ =	sdelay $0x1  }
0x121: {  	[tilespmem:s7+$0x1BFC0] =	vst v2;
	v2 =	vsub.f32 $0.0e+00, v2;
	_ =	sdelay $0x1  }
0x122: {  	[tilespmem:s7+$0x1B980] =	vst v2;
	s7 =	smov.u32 s8  }
0x123: {  	v3 =	vld.idx.msk [tilespmem:v1+s5+$0x0], $0xffff  }
0x124: {  	v4 =	vld.idx.msk [tilespmem:v4+s5+$0x0], $0xffff;
	_ =	sdelay $0x1  }
.Ltmp6:
0x125: {  	v2 =	vld [tilespmem:s7+$0x1B300];
	(pc) =	sbr.rel @p0 .LBB2_14-.Ltmp6, $3  }
0x126: {  	_ =	sdelay $0x1  }
0x127: {  	s8 =	sshra.s32 s9, $0x2  }
0x128: {  	s9 =	sadd.s32 $0x40, s9;
	v3 =	vsub.f32 v4, v3;
	v1 =	vld [tilespmem:s8+$0x1ACC0]  }
0x129: {  	_ = 	snop  }
0x12a: {  	v4 =	vld [tilespmem:s8+$0x1A680];
	v2 =	vmul.f32 $9.999999770e-03, v2  }
0x12b: {  	v3 =	vand.u32 $0x7FFFFFFF, v3  }
0x12c: {  	v2 =	vmul.f32 v3, v2;
	_ =	sdelay $0x1  }
0x12d: {  	v3 =	vsub.f32 $0.0e+00, v2  }
0x12e: {  	[tilespmem:s7+$0x1BFC0] =	vst v2  }
0x12f: {  	[tilespmem:s7+$0x1B980] =	vst v3  }
0x130: {  	v1 =	vld.idx.msk [tilespmem:v1+s5+$0x0], $0xffff  }
0x131: {  	v2 =	vld.idx.msk [tilespmem:v4+s5+$0x0], $0xffff  }
0x132: {  	v3 =	vld [tilespmem:s8+$0x1B300];
	_ =	sdelay $0x3  }
0x133: {  	v1 =	vsub.f32 v2, v1  }
0x134: {  	v2 =	vmul.f32 $9.999999770e-03, v3  }
0x135: {  	v1 =	vand.u32 $0x7FFFFFFF, v1  }
0x136: {  	v1 =	vmul.f32 v1, v2;
	_ =	sdelay $0x1  }
0x137: {  	v2 =	vsub.f32 $0.0e+00, v1  }
0x138: {  	[tilespmem:s8+$0x1BFC0] =	vst v1  }
0x139: {  	[tilespmem:s8+$0x1B980] =	vst v2  }
0x13a: {  	[spmem:s4] =	stream.indirect.scatter.add.f32 [tilespmem:s11], [sflag:$0x5], $0x1, s26, s31, $0xb8;
	[tilespmem:$0x1FE00] =	vst v63  }
0x13b: {  	_ =	swait.ge [sflag:s15], $0xC80  }
0x13c: {  	[sflag:s15] =	ssyncset.done $0x0  }
0x13d: {  	[sflag:s15] =	ssyncadd.s32 $0xFFFFF380  }
0x13e: {  	_ =	swait.ge [sflag:s19], $0xC80  }
0x13f: {  	[sflag:s19] =	ssyncset.done $0x0  }
0x140: {  	[sflag:s19] =	ssyncadd.s32 $0xFFFFF380  }
0x141: {  	[bflag:$0x0] =	sbarrier.arrive $0xFFFF  }
0x142: {  	s9 =	rddreg [dreg:$0x5]  }
0x143: {  	[tilespmem:s22], [sflag:$0x7] =	stream.linear.gather [spmem:s9], $0xC80, $0x38;
	[tilespmem:$0x1FE00] =	vst v63  }
0x144: {  	_ =	swait.ge [sflag:s21], $0xC80  }
0x145: {  	[sflag:s21] =	ssyncset.done $0x0  }
0x146: {  	s20 =	rddreg [dreg:$0xd];
	[sflag:s21] =	ssyncadd.s32 $0xFFFFF380  }
0x147: {  	[hbm4b:s20+s5] =	stream.linear.scatter [tilespmem:s22], [sflag:$0x7], $0xC80, $0x38;
	[tilespmem:$0x1FE00] =	vst v63  }
0x148: {  	_ =	swait.ge [sflag:s21], $0xC80  }
0x149: {  	[sflag:s21] =	ssyncset.done $0x0  }
0x14a: {  	[sflag:s21] =	ssyncadd.s32 $0xFFFFF380  }
0x14b: {  	[tilespmem:s22], [sflag:$0x7] =	stream.linear.gather [spmem:s18], $0xC00, $0x38;
	[tilespmem:$0x1FE00] =	vst v63  }
0x14c: {  	_ =	swait.ge [sflag:s21], $0xC00  }
0x14d: {  	[sflag:s21] =	ssyncset.done $0x0  }
0x14e: {  	s8 =	rddreg [dreg:$0xe];
	[sflag:s21] =	ssyncadd.s32 $0xFFFFF400  }
0x14f: {  	[hbm4b:s8+s5] =	stream.linear.scatter [tilespmem:s22], [sflag:$0x7], $0xC00, $0x38;
	[tilespmem:$0x1FE00] =	vst v63  }
0x150: {  	_ =	swait.ge [sflag:s21], $0xC00  }
0x151: {  	s19 =	rddreg [dreg:$0x10]  }
0x152: {  	s20 =	rddreg [dreg:$0xf];
	s8 =	sadd.s32 $0x1, s19  }
0x153: {  	p0 =	sne.s32 s8, s20  }
.Ltmp7:
0x154: {  	_ = 	snop;
	(pc) =	sbr.rel @p0 .LBB2_1-.Ltmp7, $3  }
0x155: {  	_ =	sdelay $0x1  }
0x156: {  	[sflag:s21] =	ssyncset.done $0x0  }
0x157: {  	[sflag:s21] =	ssyncadd.s32 $0xFFFFF400  }
0x158: {  	_ =	sfence.sel $0x180000  }
0x159: {  	[bflag:$0x0] =	sbarrier.arrive $0xFFFF  }
0x15a: {  	_ =	strace $0x9000004A  }
0x15b: {  	s0 =	stileid.u32;
	[bflag:$0x2] =	sbarrier.arrive $0xFFFF  }
0x15c: {  	p0 =	sne.s32 s0, $0x0;
	s0 =	rddreg [dreg:$0x4]  }
0x15d: {  	s0 =	sadd.s32 @!p0 $0x100000, s0  }
0x15e: {  	[sflag:s0] =	ssyncadd.tile.s32 @!p0 $0x1;
	_ =	shalt  }
.Lfunc_end2:
_tile_overlayer_lowered:
.L_overlay_start_2:
0x15f: {  	(tag) =	ssettag $0x2  }
0x160: {  	s0 =	rddreg [dreg:$0x0];
	s2 =	stileid.u32  }
0x161: {  	s1 =	rddreg [dreg:$0x1];
	p0 =	sne.s32 s2, $0x0  }
0x162: {  	s3 =	rddreg [dreg:$0x2];
	[bflag:$0x3] =	sbarrier.arrive $0xFFFF;
	s2 =	simm.s32 @!p0 $0x1C07  }
0x163: {  	[timem:s3], [sflag:s2] =	dma.local @!p0 [hbm:s0], s1  }
0x164: {  	s0 =	simm.s32 @!p0 $0x7  }
0x165: {  	_ =	swait.ge @!p0 [sflag:s0], s1  }
0x166: {  	s1 =	ssub.s32 @!p0 $0x0, s1;
	[sflag:s0] =	ssyncset.done @!p0 $0x0  }
0x167: {  	[sflag:s0] =	ssyncadd.s32 @!p0 s1  }
0x168: {  	[bflag:$0x3] =	sbarrier.arrive $0xFFFF  }
0x169: {  	_ =	shalt  }

// kernel: sparse-core-data-format-call.cloned.1.call-start
scs
called_computation_lowered:
.L_overlay_start_0:
0x0: {  	s2 =	sld [smem:$0x3FD9]  }
0x1: {  	s3 =	sld [smem:$0x3FFE];
	_ =	sdelay $0x1  }
0x2: {  	s1 =	srdreg.scid  }
0x3: {  	s0 =	sand.u32 $0x1, s1  }
0x4: {  	s18 =	sshll.u32 s0, $0xA;
	s2 =	sadd.s32 s3, s2  }
0x5: {  	s2 =	sadd.s32 s2, s18  }
0x6: {  	[smem:$0x3FC3] =	sst s2  }
0x7: {  	_ = 	snop  }
0x8: {  	s2 =	sld [smem:$0x3FC9];
	(tm) =	ssettm $0x1  }
0x9: {  	s19 =	sld [smem:$0x3FFB];
	_ =	sdelay $0x3  }
0xa: {  	_ =	strace s19  }
0xb: {  	s3 =	sld [smem:$0x3FFC];
	_ =	sdelay $0x3  }
0xc: {  	_ =	strace s3  }
0xd: {  	s3 =	sld [smem:$0x3FFD];
	_ =	sdelay $0x3  }
0xe: {  	_ =	strace s3  }
0xf: {  	_ =	strace $0x8FFFFFFF  }
0x10: {  	s20 =	sld [smem:$0x3FDB];
	_ =	sdelay $0x1  }
0x11: {  	s4 =	simm.s32 $_scs_section_size  }
0x12: {  	s5 =	simm.s32 $_size__tile_overlayer_lowered;
	s6 =	simm.s32 $_tile_overlayer_lowered  }
0x13: {  	s23 =	simm.s32 $0x1BFF;
	s22 =	sshll.u32 s6, $0x1;
	s3 =	sadd.s32 s4, s20  }
0x14: {  	s7 =	simm.s32 $0x0;
	s21 =	sshll.u32 s5, $0x1;
	s5 =	sadd.s32 s22, s3  }
0x15: {  	[timem:s7], [sflag:s23] =	dma.local [hbm:s5], s21  }
0x16: {  	_ =	swait.ge [sflag:s23], s21  }
0x17: {  	s4 =	ssub.s32 $0x0, s21;
	[sflag:s23] =	ssyncset.done $0x0  }
0x18: {  	[sflag:s23] =	ssyncadd.s32 s4;
	_ =	sdelay $0x1  }
0x19: {  	s24 =	simm.s32 $0x1B8B  }
0x1a: {  	_ =	swait.ge [sflag:s24], $0x1  }
0x1b: {  	[sflag:s24] =	ssyncset.done $0x0  }
0x1c: {  	s26 =	simm.s32 $0x1B8E;
	s25 =	sld [smem:$0x3FFE];
	[sflag:s24] =	ssyncadd.s32 $0xFFFFFFFF  }
0x1d: {  	s27 =	simm.s32 $execute0_lowered;
	[smem:$0x3FD2] =	sst s26  }
0x1e: {  	s5 =	sshll.u32 s27, $0x1;
	_ =	strace $0x80000046;
	[dreg:$0x1] =	wrdreg $0xFFFFFFFF  }
0x1f: {  	s28 =	simm.s32 $_size_execute0_lowered;
	s3 =	sadd.s32 s3, s5;
	[dreg:$0x0] =	wrdreg $0x0  }
0x20: {  	s5 =	sshll.u32 s28, $0x1;
	[dreg:$0x2] =	wrdreg s3  }
0x21: {  	[dreg:$0x3] =	wrdreg s5  }
0x22: {  	[dreg:$0x4] =	wrdreg $0xC0  }
0x23: {  	_ =	task [dreg:s7], $0x5FFFF  }
0x24: {  	[dreg:$0x1] =	wrdreg $0xFFFFFFFF  }
0x25: {  	[dreg:$0x0] =	wrdreg $0x60  }
0x26: {  	[dreg:$0x2] =	wrdreg s2  }
0x27: {  	[dreg:$0x3] =	wrdreg s25  }
0x28: {  	[dreg:$0x4] =	wrdreg $0x9  }
0x29: {  	_ =	task.clear_ibuf [dreg:s7], $0x5FFFF;
	_ =	strace $0x90000046  }
0x2a: {  	s29 =	simm.s32 $0x9;
	_ =	strace $0x80000048  }
0x2b: {  	_ =	swait.ge [sflag:s29], $0x1  }
0x2c: {  	[sflag:s29] =	ssyncadd.s32 $0xFFFFFFFF  }
0x2d: {  	_ =	strace $0x90000048  }
0x2e: {  	_ =	sfence  }
0x2f: {  	s30 =	sld [smem:$0x0];
	_ =	sdelay $0x2  }
0x30: {  	s31 =	sshll.u32 s1, $0xD;
	s1 =	sshrl.u32 s1, $0x2  }
0x31: {  	s3 =	sand.u32 $0x4000, s31;
	s1 =	sadd.s32 s1, s30  }
0x32: {  	s0 =	sor.u32 s3, s0;
	s1 =	sshll.u32 s1, $0x11  }
0x33: {  	s0 =	sor.u32 s1, s0  }
0x34: {  	s0 =	sadd.s32 $0x8F2B, s0  }
0x35: {  	[sflag:s0] =	ssyncadd.remote.s32 $0x1  }
0x36: {  	_ =	sfence.sel $0xFFFF  }
0x37: {  	[dreg:$0x0] =	wrdreg $0xFFFFFFFF;
	(pc) =	sbr.abs _section_cstart, $3  }
0x38: {  	[dreg:$0x1] =	wrdreg $0xFFFFFFFF  }
0x39: {  	_ =	task.clear_ibuf [dreg:s7], $0x2FFFF;
	_ =	strace $0x9FFFFFFF  }
0x3a: {  	(tm) =	ssettm $0x7FFFFFFF  }
0x3b: {  	_ =	shalt  }
tec
execute0_lowered:
.L_overlay_start_1:
0x0: {  	(tag) =	ssettag $0x1  }
0x1: {  	s0 =	stileid.u32;
	s7 =	rddreg [dreg:$0x0]  }
0x2: {  	s1 =	srdreg.scid;
	s4 =	rddreg [dreg:$0x1]  }
0x3: {  	s30 =	simm.s32 $0x2;
	s10 =	simm.s32 $0x0;
	s14 =	simm.s32 $0x0  }
0x4: {  	s15 =	simm.s32 $0x0;
	s11 =	simm.s32 $0x0;
	s13 =	simm.s32 $0x0  }
0x5: {  	s2 =	sand.u32 $0x1, s1;
	s3 =	sshll.u32 s0, $0x7;
	s1 =	rddreg [dreg:$0x2]  }
0x6: {  	_ =	strace $0x80000047;
	s5 =	ssub.s32 $0xC300, s3;
	s6 =	ssub.s32 $0x2, s2  }
.Ltmp0:
0x7: {  	s5 =	sshrl.u32 s5, $0xB;
	s8 =	sshrl.u32 s6, $0x1;
	(pc) =	sbr.rel .LBB1_1-.Ltmp0, $4  }
0x8: {  	s4 =	sadd.s32 $0x1400, s4;
	s9 =	sadd.s32 $0x1, s5;
	s6 =	ssub.s32 s6, s8  }
0x9: {  	s31 =	sshll.u32 s2, $0x4;
	s5 =	simm.s32 $0x1;
	s6 =	smul.u32 s9, s6  }
0xa: {  	s12 =	smov.u32 s3;
	s7 =	sadd.s32 s7, s31;
	[sflag:s5] =	ssyncpa.u1 $0x0  }
0xb: {  	s9 =	simm.s32 $0x0;
	[sflag:s30] =	ssyncpa.u1 $0x0;
	s8 =	sadd.s32 $0x1, s6  }
.LBB1_4:
0xc: {  	s21 =	simm.s32 $0x0  }
.LBB1_8:
0xd: {  	_ =	sdelay $0x3  }
0xe: {  	v6 =	vld [tilespmem:s18+$0xFFFFFFC0];
	[tilespmem:v0+s20+$0x30 ss:$0x1] =	vst.idx.msk @p0 $0xffff, v2  }
0xf: {  	v58 =	vld [tilespmem:s18+$0xFFFFFFD0];
	[tilespmem:v0+s20+$0x40 ss:$0x1] =	vst.idx.msk @p0 $0xffff, v3;
	s21 =	sadd.s32 @p0 $0x80, s21  }
0x10: {  	v59 =	vld [tilespmem:s18+$0xFFFFFFE0];
	[tilespmem:v0+s20+$0x50 ss:$0x1] =	vst.idx.msk @p0 $0xffff, v5;
	s19 =	smov.u32 @p0 s21  }
0x11: {  	v60 =	vld [tilespmem:s18+$0xFFFFFFF0];
	[tilespmem:v0+s20+$0x60 ss:$0x1] =	vst.idx.msk @p0 $0xffff, v4;
	s19 =	sand.u32 $0x3F80, s19  }
0x12: {  	v61 =	vld [tilespmem:s18+$0x0];
	[tilespmem:v0+s19+$0x70 ss:$0x1] =	vst.idx.msk $0xffff, v1  }
0x13: {  	v62 =	vld [tilespmem:s18+$0x10];
	[tilespmem:v0+s19+$0x0 ss:$0x1] =	vst.idx.msk $0xffff, v6  }
0x14: {  	v63 =	vld [tilespmem:s18+$0x20];
	[tilespmem:v0+s19+$0x10 ss:$0x1] =	vst.idx.msk $0xffff, v58  }
0x15: {  	[tilespmem:v0+s19+$0x20 ss:$0x1] =	vst.idx.msk $0xffff, v59  }
0x16: {  	[tilespmem:v0+s19+$0x30 ss:$0x1] =	vst.idx.msk $0xffff, v60  }
0x17: {  	[tilespmem:v0+s19+$0x40 ss:$0x1] =	vst.idx.msk $0xffff, v61  }
0x18: {  	[tilespmem:v0+s19+$0x50 ss:$0x1] =	vst.idx.msk $0xffff, v62  }
0x19: {  	[tilespmem:v0+s19+$0x60 ss:$0x1] =	vst.idx.msk $0xffff, v63  }
.LBB1_9:
0x1a: {  	s18 =	sand.u32 $0x1FFFFFF, s11  }
0x1b: {  	s19 =	smulhi.u32 $0x14F8B59, s18;
	_ =	sdelay $0x1  }
0x1c: {  	s19 =	sshrl.u32 s19, $0x8  }
0x1d: {  	s19 =	smul.u32 $0xC350, s19  }
0x1e: {  	s15 =	smul.u32 $0xC3500, s15  }
0x1f: {  	s18 =	ssub.s32 s18, s19  }
0x20: {  	s15 =	sadd.s32 s4, s15;
	s18 =	sshll.u32 s18, $0x4  }
0x21: {  	s15 =	sadd.s32 s18, s15  }
0x22: {  	[hbm4b:s15+s9] =	stream.linear.scatter [tilespmem:s17], [sflag:$0x2], s16, $0x38;
	[tilespmem:$0x10000] =	vst v63  }
.LBB1_10:
0x23: {  	p0 =	slt.u32 s13, $0x2  }
0x24: {  	p1 =	sgt.s32 @!p0 s14, $0xC2D0  }
0x25: {  	s15 =	smov.u32 s14;
	s16 =	sshra.s32 @!p0 s14, $0x1F;
	p1 =	por !p1, p0  }
0x26: {  	s14 =	sand.u32 @!p0 s16, s14;
	s15 =	simm.s32 @p1 $0xC2D0  }
0x27: {  	s14 =	ssub.s32 @!p0 s15, s14  }
0x28: {  	s14 =	sadd.s32 @!p0 $0xFFFF3D30, s14  }
0x29: {  	s15 =	sshll.u32 @!p0 s14, $0x7  }
0x2a: {  	p1 =	sgt.s32 @!p0 s14, $0x7F;
	s14 =	ssub.s32 @!p0 $0x4000, s15  }
0x2b: {  	s16 =	sadd.s32 $0x800, s12;
	p1 =	por !p1, p0;
	s14 =	sand.u32 @!p0 $0x3FFFFF80, s14  }
0x2c: {  	s14 =	simm.s32 @!p1 $0x0;
	p1 =	sgt.s32 s16, $0xC34F  }
0x2d: {  	s16 =	smov.u32 @p1 s3;
	p1 =	sne.s32 s13, s8  }
.Ltmp1:
0x2e: {  	_ = 	snop;
	(pc) =	sbr.rel @!p1 .LBB1_11-.Ltmp1, $4  }
0x2f: {  	s10 =	sadd.s32 $0x4000, s10;
	s15 =	simm.s32 @!p0 $0x2  }
0x30: {  	_ =	swait.ge @!p0 [sflag:s15], s14;
	s17 =	ssub.s32 @!p0 $0x0, s14;
	s14 =	smov.u32 s11  }
0x31: {  	s13 =	sadd.s32 $0x1, s13;
	s11 =	smov.u32 s12;
	[sflag:s15] =	ssyncset.done @!p0 $0x0  }
0x32: {  	s12 =	smov.u32 s16;
	[sflag:s15] =	ssyncadd.s32 @!p0 s17;
	s15 =	smov.u32 s2  }
.LBB1_1:
0x33: {  	p0 =	sge.u32 s13, s6  }
0x34: {  	p1 =	sgt.s32 @!p0 s12, $0xC2D0  }
0x35: {  	s16 =	smov.u32 s12;
	s17 =	sshra.s32 @!p0 s12, $0x1F;
	p1 =	por !p1, p0  }
0x36: {  	s17 =	sand.u32 @!p0 s17, s12;
	s16 =	simm.s32 @p1 $0xC2D0  }
0x37: {  	s16 =	ssub.s32 @!p0 s16, s17  }
0x38: {  	s31 =	sadd.s32 $0xFFFFFFFF, s13;
	s18 =	sxor.u32 @!p0 $0xFFFFFFFF, s13;
	s16 =	sadd.s32 @!p0 $0xFFFF3D30, s16  }
0x39: {  	s19 =	simm.s32 @!p0 $0x80;
	s20 =	simm.s32 @!p0 $0x100;
	s17 =	sshll.u32 @!p0 s16, $0x7  }
0x3a: {  	p1 =	sgt.s32 @!p0 s16, $0x7F;
	s16 =	ssub.s32 @!p0 $0x4000, s17;
	s17 =	sshll.u32 @!p0 s18, $0xE  }
0x3b: {  	p1 =	por !p1, p0;
	s18 =	sshll.u32 @!p0 s12, $0x5;
	s16 =	sand.u32 @!p0 $0x3FFFFF80, s16  }
0x3c: {  	s17 =	sand.u32 @!p0 $0x4000, s17;
	s18 =	sadd.s32 @!p0 s18, s7;
	s16 =	simm.s32 @!p1 $0x0  }
0x3d: {  	[tilespmem:s17], [sflag:$0x1] =	stream.strided.gather @!p0 [hbm4b:s18+s19], s16, s20, s19, $0x38;
	[tilespmem:$0x10000] =	vst v63  }
0x3e: {  	p0 =	sge.u32 s31, s6  }
.Ltmp2:
0x3f: {  	_ = 	snop;
	(pc) =	sbr.rel @p0 .LBB1_10-.Ltmp2, $1  }
0x40: {  	_ =	sdelay $0x3  }
0x41: {  	p0 =	sgt.s32 s11, $0xC2D0;
	s16 =	smov.u32 s11;
	s17 =	sshra.s32 s11, $0x1F  }
0x42: {  	s16 =	simm.s32 @!p0 $0xC2D0;
	s17 =	sand.u32 s17, s11  }
0x43: {  	s16 =	ssub.s32 s16, s17  }
0x44: {  	s16 =	sadd.s32 $0xFFFF3D30, s16  }
0x45: {  	s30 =	sshll.u32 s16, $0x7  }
0x46: {  	s17 =	ssub.s32 $0x4000, s30  }
0x47: {  	p0 =	sgt.s32 s16, $0x7F;
	s16 =	sand.u32 $0x3FFFFF80, s17;
	s17 =	sadd.s32 $0x80, s11  }
0x48: {  	s16 =	simm.s32 @p0 $0x0;
	p0 =	slt.s32 s17, $0xC350  }
0x49: {  	s17 =	simm.s32 @!p0 $0xC350  }
0x4a: {  	s20 =	ssub.s32 s17, s11  }
0x4b: {  	p0 =	slt.s32 s20, $0x1  }
.Ltmp3:
0x4c: {  	_ = 	snop;
	(pc) =	sbr.rel @p0 .LBB1_9-.Ltmp3, $4  }
0x4d: {  	_ = 	snop  }
0x4e: {  	s19 =	sshll.u32 s13, $0xE;
	_ =	swait.ge [sflag:s5], s16  }
0x4f: {  	s31 =	sand.u32 $0x4000, s19;
	s18 =	ssub.s32 $0x0, s16;
	[sflag:s5] =	ssyncset.done $0x0  }
0x50: {  	s17 =	sor.u32 $0x8000, s31;
	[sflag:s5] =	ssyncadd.s32 s18  }
0x51: {  	p1 =	sne.s32 s20, $0x1  }
.Ltmp4:
0x52: {  	v0 =	vmov s17;
	(pc) =	sbr.rel @!p1 .LBB1_4-.Ltmp4, $4  }
0x53: {  	_ = 	snop  }
0x54: {  	s18 =	sand.u32 $0x4000, s10  }
0x55: {  	s18 =	sor.u32 $0x40, s18  }
0x56: {  	s19 =	simm.s32 $0x0;
	s21 =	sadd.s32 $0xFFFFFFFF, s20;
	p0 =	por $0x0, $0x0;
	v1 =	vld [tilespmem:s18+$0x30]  }
0x57: {  	v4 =	vld [tilespmem:s18+$0xFFFFFFC0]  }
0x58: {  	v6 =	vld [tilespmem:s18+$0xFFFFFFD0]  }
0x59: {  	v7 =	vld [tilespmem:s18+$0xFFFFFFE0];
	p1 =	sne.s32 s21, $0x1  }
.Ltmp5:
0x5a: {  	v2 =	vld [tilespmem:s18+$0xFFFFFFF0];
	s20 =	sand.u32 $0x3F80, s19;
	(pc) =	sbr.rel @!p1 .LBB1_6-.Ltmp5, $4  }
0x5b: {  	v3 =	vld [tilespmem:s18+$0x0];
	[tilespmem:v0+s20+$0x70 ss:$0x1] =	vst.idx.msk $0xffff, v1  }
0x5c: {  	v5 =	vld [tilespmem:s18+$0x10];
	[tilespmem:v0+s20+$0x0 ss:$0x1] =	vst.idx.msk $0xffff, v4  }
0x5d: {  	v4 =	vld [tilespmem:s18+$0x20];
	[tilespmem:v0+s20+$0x10 ss:$0x1] =	vst.idx.msk $0xffff, v6;
	s18 =	sadd.s32 $0x80, s18  }
0x5e: {  	s22 =	sadd.s32 $0xFFFFFFFF, s21;
	p0 =	por $0x1, $0x1;
	s21 =	simm.s32 $0x0;
	[tilespmem:v0+s20+$0x20 ss:$0x1] =	vst.idx.msk $0xffff, v7;
	v1 =	vld [tilespmem:s18+$0x30]  }
.LBB1_7:
0x5f: {  	p1 =	sne.s32 s22, $0x1;
	v6 =	vld [tilespmem:s18+$0xFFFFFFC0];
	[tilespmem:v0+s20+$0x30 ss:$0x1] =	vst.idx.msk $0xffff, v2  }
0x60: {  	v7 =	vld [tilespmem:s18+$0xFFFFFFD0];
	[tilespmem:v0+s20+$0x40 ss:$0x1] =	vst.idx.msk $0xffff, v3  }
0x61: {  	s21 =	sadd.s32 $0x80, s21;
	v8 =	vld [tilespmem:s18+$0xFFFFFFE0];
	[tilespmem:v0+s20+$0x50 ss:$0x1] =	vst.idx.msk $0xffff, v5  }
.Ltmp6:
0x62: {  	v2 =	vld [tilespmem:s18+$0xFFFFFFF0];
	[tilespmem:v0+s20+$0x60 ss:$0x1] =	vst.idx.msk $0xffff, v4;
	s20 =	sand.u32 $0x3F80, s21;
	(pc) =	sbr.rel @p1 .LBB1_7-.Ltmp6, $4  }
0x63: {  	v3 =	vld [tilespmem:s18+$0x0];
	[tilespmem:v0+s20+$0x70 ss:$0x1] =	vst.idx.msk $0xffff, v1  }
0x64: {  	[tilespmem:v0+s20+$0x0 ss:$0x1] =	vst.idx.msk $0xffff, v6;
	v5 =	vld [tilespmem:s18+$0x10]  }
0x65: {  	[tilespmem:v0+s20+$0x10 ss:$0x1] =	vst.idx.msk $0xffff, v7;
	v4 =	vld [tilespmem:s18+$0x20];
	s18 =	sadd.s32 $0x80, s18  }
0x66: {  	s22 =	sadd.s32 $0xFFFFFFFF, s22;
	v1 =	vld [tilespmem:s18+$0x30];
	[tilespmem:v0+s20+$0x20 ss:$0x1] =	vst.idx.msk $0xffff, v8  }
.Ltmp7:
0x67: {  	_ = 	snop;
	(pc) =	sbr.rel .LBB1_8-.Ltmp7, $1  }
0x68: {  	_ =	sdelay $0x3  }
.LBB1_6:
.Ltmp8:
0x69: {  	(pc) =	sbr.rel .LBB1_8-.Ltmp8, $2  }
0x6a: {  	_ =	sdelay $0x2  }
0x6b: {  	s21 =	simm.s32 $0x0  }
.LBB1_11:
0x6c: {  	_ =	sfence.sel $0x180000  }
0x6d: {  	s2 =	simm.s32 $0x1;
	[bflag:$0x0] =	sbarrier.arrive $0xFFFF  }
0x6e: {  	s31 =	simm.s32 $0x2;
	[sflag:s2] =	ssyncpa.u1 $0x1  }
0x6f: {  	[sflag:s31] =	ssyncpa.u1 $0x1  }
0x70: {  	p0 =	sne.s32 s0, $0x0;
	_ =	strace $0x90000047  }
0x71: {  	s0 =	sadd.s32 @!p0 $0x100000, s1;
	[bflag:$0x2] =	sbarrier.arrive $0xFFFF  }
0x72: {  	[sflag:s0] =	ssyncadd.tile.s32 @!p0 $0x1;
	_ =	shalt  }
.Lfunc_end1:
_tile_overlayer_lowered:
.L_overlay_start_2:
0x73: {  	(tag) =	ssettag $0x2  }
0x74: {  	s0 =	rddreg [dreg:$0x0];
	s2 =	stileid.u32  }
0x75: {  	s1 =	rddreg [dreg:$0x1];
	p0 =	sne.s32 s2, $0x0  }
0x76: {  	s3 =	rddreg [dreg:$0x2];
	[bflag:$0x3] =	sbarrier.arrive $0xFFFF;
	s2 =	simm.s32 @!p0 $0x1C01  }
0x77: {  	[timem:s3], [sflag:s2] =	dma.local @!p0 [hbm:s0], s1  }
0x78: {  	s0 =	simm.s32 @!p0 $0x1  }
0x79: {  	_ =	swait.ge @!p0 [sflag:s0], s1  }
0x7a: {  	s1 =	ssub.s32 @!p0 $0x0, s1;
	[sflag:s0] =	ssyncset.done @!p0 $0x0  }
0x7b: {  	[sflag:s0] =	ssyncadd.s32 @!p0 s1  }
0x7c: {  	[bflag:$0x3] =	sbarrier.arrive $0xFFFF  }
0x7d: {  	_ =	shalt  }

</sc_bundles>
